<compile_context>
chip_gen: v7x
topology: tpu7x:2x2x1
jax: 0.10.2.dev20260603
libtpu: 0.0.44.dev20260713+nightly
codegen_flags: <defaults>
</compile_context>

<pallas_src>
import functools

import jax
import jax.numpy as jnp
from jax import lax
from jax.experimental import pallas as pl
from jax.experimental.pallas import tpu as pltpu
from jax.experimental.pallas import tpu_sc as plsc

B = 8
N = 2048
K = 16
CIN = 64
COUT = 128
ROWS = 256


def _h_body(x_ref, w1_ref, w2_ref, h_ref):
    w = jnp.dot(w2_ref[...], w1_ref[...], preferred_element_type=jnp.float32)
    h_ref[0] = jnp.dot(w, x_ref[0], preferred_element_type=jnp.float32)


def _compute_h(x, W1, W2):
    return pl.pallas_call(
        _h_body,
        grid=(B,),
        in_specs=[
            pl.BlockSpec((1, CIN, N), lambda b: (b, 0, 0)),
            pl.BlockSpec((COUT, CIN), lambda b: (0, 0)),
            pl.BlockSpec((COUT, COUT), lambda b: (0, 0)),
        ],
        out_specs=pl.BlockSpec((1, COUT, N), lambda b: (b, 0, 0)),
        out_shape=jax.ShapeDtypeStruct((B, COUT, N), jnp.float32),
    )(x, W1, W2)


def _topk_body(cpad_ref, ct_ref, idx_ref):
    c_all = cpad_ref[0]
    cn = ct_ref[0]
    sq_p = jnp.sum(c_all * c_all, axis=0)
    sq_c = jnp.sum(cn * cn, axis=1, keepdims=True)
    dots = jnp.dot(cn, c_all, preferred_element_type=jnp.float32)
    dist = sq_c + sq_p[None, :] - 2.0 * dots
    iota_m = lax.broadcasted_iota(jnp.int32, (ROWS, N), 1)
    cols = []
    for _ in range(K):
        m = jnp.min(dist, axis=1, keepdims=True)
        idxv = jnp.min(jnp.where(dist == m, iota_m, N), axis=1, keepdims=True)
        cols.append(idxv)
        dist = jnp.where(iota_m == idxv, jnp.float32(jnp.inf), dist)
    idx_ref[0] = jnp.concatenate(cols, axis=1)


def _compute_topk(coords):
    cpad = jnp.pad(coords, ((0, 0), (0, 5), (0, 0)))
    ct = jnp.swapaxes(cpad, 1, 2)
    nrb = N // ROWS
    return pl.pallas_call(
        _topk_body,
        grid=(B, nrb),
        in_specs=[
            pl.BlockSpec((1, 8, N), lambda b, r: (b, 0, 0)),
            pl.BlockSpec((1, ROWS, 8), lambda b, r: (b, r, 0)),
        ],
        out_specs=pl.BlockSpec((1, ROWS, K), lambda b, r: (b, r, 0)),
        out_shape=jax.ShapeDtypeStruct((B, N, K), jnp.int32),
    )(cpad, ct)


def _make_sc_gather():
    mesh = plsc.VectorSubcoreMesh(core_axis_name="c", subcore_axis_name="s")
    info = plsc.get_sparse_core_info()
    nc = info.num_cores
    ns = info.num_subcores
    nw = nc * ns
    wpb = nw // B
    cpw = COUT // wpb

    @functools.partial(
        pl.kernel,
        mesh=mesh,
        compiler_params=pltpu.CompilerParams(needs_layout_passes=False),
        out_type=[
            jax.ShapeDtypeStruct((B, COUT, N), jnp.float32),
            jax.ShapeDtypeStruct((B, COUT, N * K), jnp.float32),
            jax.ShapeDtypeStruct((B, 3, N * K), jnp.float32),
        ],
        scratch_types=[
            pltpu.VMEM((N * K,), jnp.int32),
            pltpu.VMEM((N,), jnp.float32),
            pltpu.VMEM((N * K,), jnp.float32),
            pltpu.VMEM((N,), jnp.float32),
        ],
    )
    def sc_gather(h_hbm, coords_hbm, idx_hbm, y_hbm, knn_hbm, local_hbm,
                  idx_v, row_v, out_v, y_v):
        wid = lax.axis_index("s") * nc + lax.axis_index("c")
        b = wid // wpb
        sub = wid % wpb
        pltpu.sync_copy(idx_hbm.at[b], idx_v)
        lane16 = lax.iota(jnp.int32, 16)
        stride16 = lane16 * 16

        def gather_channel(_unused):
            def p1(i, _):
                idxv = idx_v[pl.ds(i * 16, 16)]
                out_v[pl.ds(i * 16, 16)] = plsc.load_gather(row_v, [idxv])
                return 0
            lax.fori_loop(0, N * K // 16, p1, 0)

        def maxpool(_unused):
            def p2(g, _):
                base = g * 256
                acc = plsc.load_gather(out_v, [stride16 + base])
                for j in range(1, K):
                    acc = jnp.maximum(
                        acc, plsc.load_gather(out_v, [stride16 + (base + j)]))
                y_v[pl.ds(g * 16, 16)] = acc
                return 0
            lax.fori_loop(0, N // 16, p2, 0)

        def h_task(t, _):
            ch = sub * cpw + t
            pltpu.sync_copy(h_hbm.at[b, ch], row_v)
            gather_channel(None)
            maxpool(None)
            pltpu.sync_copy(out_v, knn_hbm.at[b, ch])
            pltpu.sync_copy(y_v, y_hbm.at[b, ch])
            return 0

        lax.fori_loop(0, cpw, h_task, 0)

        @pl.when(sub < 3)
        def coord_task():
            d = sub
            pltpu.sync_copy(coords_hbm.at[b, d], row_v)

            def p1(g, _):
                centers = row_v[pl.ds(g * 16, 16)]
                for t in range(16):
                    i = g * 16 + t
                    idxv = idx_v[pl.ds(i * 16, 16)]
                    vals = plsc.load_gather(row_v, [idxv])
                    out_v[pl.ds(i * 16, 16)] = centers[t] - vals
                return 0
            lax.fori_loop(0, N // 16, p1, 0)
            pltpu.sync_copy(out_v, local_hbm.at[b, d])

    return sc_gather


_SC_CACHE = []


def kernel(x, coords, W1, W2):
    h = _compute_h(x, W1, W2)
    idx = _compute_topk(coords)
    if not _SC_CACHE:
        _SC_CACHE.append(_make_sc_gather())
    y, knn_flat, local_flat = _SC_CACHE[0](h, coords, idx.reshape(B, N * K))
    return (y,
            knn_flat.reshape(B, COUT, N, K),
            local_flat.reshape(B, 3, N, K))

# --- scband reference (transcript-rebuilt; emitter-appended) ---
"""Pipeline reference for scband-non-transition-56538949485053 (READ-ONLY COPY).

The authoritative reference and input builder live on the scoring server;
editing this copy changes nothing except your own understanding.
"""

import jax, jax.numpy as jnp
import numpy as np

K = 16


def index2points(points, idx):
    # points: [B, C, N], idx: [B, N, k] -> [B, C, N, k]
    B, C, N = points.shape
    k = idx.shape[-1]
    idx_b = jnp.broadcast_to(idx.reshape(B, 1, N * k), (B, C, N * k))
    return jnp.take_along_axis(points, idx_b, axis=2).reshape(B, C, N, k)


def k_nearest_neighbors(center_coords, coords, k):
    # center_coords: [B, 3, N], coords: [B, 3, M]
    sq_c = jnp.sum(center_coords ** 2, axis=1)  # [B, N]
    sq_p = jnp.sum(coords ** 2, axis=1)         # [B, M]
    dots = jnp.einsum('bdn,bdm->bnm', center_coords, coords)
    dist = sq_c[:, :, None] + sq_p[:, None, :] - 2.0 * dots
    neg_topk, idx = jax.lax.top_k(-dist, k)
    return idx, -neg_topk


def setup_inputs(seed: int = 0):
    key = jax.random.key(seed)
    k1, k2, k3, k4 = jax.random.split(key, 4)
    x = jax.random.normal(k1, (8, 64, 2048), dtype=jnp.float32)
    coords = jax.random.normal(k2, (8, 3, 2048), dtype=jnp.float32)
    # pointwise (1x1) conv weights, bias=False, stored as [out, in]
    W1 = jax.random.normal(k3, (128, 64), dtype=jnp.float32) / jnp.sqrt(64.0)
    W2 = jax.random.normal(k4, (128, 128), dtype=jnp.float32) / jnp.sqrt(128.0)
    return {"x": x, "coords": coords, "W1": W1, "W2": W2}


def reference(x, coords, W1, W2):
    knn_indices, _ = k_nearest_neighbors(coords, coords, K)
    knn_coords = index2points(coords, knn_indices)           # [B, 3, N, k]
    local_coords = (knn_coords - coords[:, :, :, None]) * -1.0
    knn_x = index2points(x, knn_indices)                      # [B, C_in, N, k]
    h = jnp.einsum('oi,bink->bonk', W1, knn_x)                # PointwiseConv2D 1
    knn_mlp_x = jnp.einsum('oi,bink->bonk', W2, h)            # PointwiseConv2D 2
    y = jnp.max(knn_mlp_x, axis=-1)                           # [B, C_out, N]
    return (y, knn_mlp_x, local_coords)

if __name__ == "__main__":
    import jax
    _d = setup_inputs()
    print(jax.jit(kernel)(*tuple(_d.values())))

</pallas_src>

<mosaic_0001>
#map = affine_map<(d0, d1) -> (0, 0, 0)>
#map1 = affine_map<(d0, d1) -> (0, 0)>
module attributes {stable_mosaic.version = 14 : i64} {
  func.func @sc_gather(%arg0: i32, %arg1: i32, %arg2: memref<8x128x2048xf32, #tpu.memory_space<hbm>>, %arg3: memref<8x3x2048xf32, #tpu.memory_space<hbm>>, %arg4: memref<8x32768xi32, #tpu.memory_space<hbm>>, %arg5: memref<8x128x2048xf32, #tpu.memory_space<hbm>>, %arg6: memref<8x128x32768xf32, #tpu.memory_space<hbm>>, %arg7: memref<8x3x32768xf32, #tpu.memory_space<hbm>>, %arg8: memref<32768xi32, #tpu.memory_space<vmem>>, %arg9: memref<2048xf32, #tpu.memory_space<vmem>>, %arg10: memref<32768xf32, #tpu.memory_space<vmem>>, %arg11: memref<2048xf32, #tpu.memory_space<vmem>>) attributes {dimension_semantics = [#tpu.dimension_semantics<core_parallel>, #tpu.dimension_semantics<subcore_parallel>], iteration_bounds = array<i64: 2, 16>, scalar_prefetch = 0 : i64, scratch_operands = 4 : i64, tpu.core_type = #tpu.core_type<sc_vector_subcore>, window_params = [{transform_indices = #map}, {transform_indices = #map}, {transform_indices = #map1}, {transform_indices = #map}, {transform_indices = #map}, {transform_indices = #map}]} {
    %mul3A = arith.constant 2 : i32
    %mul3A_0 = arith.muli %arg1, %mul3A : i32
    %add3A = arith.addi %mul3A_0, %arg0 : i32
    %jit3A = arith.constant 4 : i32
    %div3A = arith.divsi %add3A, %jit3A : i32
    %sign3A = arith.constant 0 : i32
    %sign3A_1 = arith.cmpi sgt, %add3A, %sign3A : i32
    %sign3A_2 = arith.extui %sign3A_1 : i1 to i32
    %sign3A_3 = arith.constant 0 : i32
    %sign3A_4 = arith.cmpi slt, %add3A, %sign3A_3 : i32
    %sign3A_5 = arith.extui %sign3A_4 : i1 to i32
    %sign3A_6 = arith.subi %sign3A_2, %sign3A_5 : i32
    %sign3A_7 = arith.constant 0 : i32
    %sign3A_8 = arith.cmpi sgt, %jit3A, %sign3A_7 : i32
    %sign3A_9 = arith.extui %sign3A_8 : i1 to i32
    %sign3A_10 = arith.constant 0 : i32
    %sign3A_11 = arith.cmpi slt, %jit3A, %sign3A_10 : i32
    %sign3A_12 = arith.extui %sign3A_11 : i1 to i32
    %sign3A_13 = arith.subi %sign3A_9, %sign3A_12 : i32
    %ne3A = arith.cmpi ne, %sign3A_6, %sign3A_13 : i32
    %rem3A = arith.remsi %add3A, %jit3A : i32
    %ne3A_14 = arith.constant 0 : i32
    %ne3A_15 = arith.cmpi ne, %rem3A, %ne3A_14 : i32
    %and3A = arith.andi %ne3A, %ne3A_15 : i1
    %sub3A = arith.constant 1 : i32
    %sub3A_16 = arith.subi %div3A, %sub3A : i32
    %select_n3A = arith.select %and3A, %sub3A_16, %div3A : i32
    %jit3A_17 = arith.constant 4 : i32
    %eq3A = arith.constant 0 : i32
    %eq3A_18 = arith.cmpi eq, %jit3A_17, %eq3A : i32
    %jit3A_19 = arith.constant 1 : i32
    %select_n3A_20 = arith.select %eq3A_18, %jit3A_19, %jit3A_17 : i32
    %rem3A_21 = arith.remsi %add3A, %select_n3A_20 : i32
    %ne3A_22 = arith.constant 0 : i32
    %ne3A_23 = arith.cmpi ne, %rem3A_21, %ne3A_22 : i32
    %lt3A = arith.constant 0 : i32
    %lt3A_24 = arith.cmpi slt, %rem3A_21, %lt3A : i32
    %lt3A_25 = arith.constant 0 : i32
    %lt3A_26 = arith.cmpi slt, %select_n3A_20, %lt3A_25 : i32
    %ne3A_27 = arith.xori %lt3A_24, %lt3A_26 : i1
    %and3A_28 = arith.andi %ne3A_27, %ne3A_23 : i1
    %add3A_29 = arith.addi %rem3A_21, %select_n3A_20 : i32
    %select_n3A_30 = arith.select %and3A_28, %add3A_29, %rem3A_21 : i32
    "tpu.region"() ({
      %run_scoped3A = tpu.sem_alloc : memref<!tpu.dma_semaphore, #tpu.memory_space<semaphore_mem>>
      %dma_start3A = arith.constant 0 : i32
      %dma_start3A_43 = tpu.memref_slice %arg4[%select_n3A, %dma_start3A] : memref<8x32768xi32, #tpu.memory_space<hbm>> -> memref<1x32768xi32, #tpu.memory_space<hbm>>
      %dma_start3A_44 = tpu.memref_squeeze %dma_start3A_43 : memref<1x32768xi32, #tpu.memory_space<hbm>> -> memref<32768xi32, #tpu.memory_space<hbm>>
      %dma_start3A_45 = arith.constant 0 : i32
      %dma_start3A_46 = tpu.memref_slice %arg4[%select_n3A, %dma_start3A_45] : memref<8x32768xi32, #tpu.memory_space<hbm>> -> memref<1x32768xi32, #tpu.memory_space<hbm>>
      %dma_start3A_47 = tpu.memref_squeeze %dma_start3A_46 : memref<1x32768xi32, #tpu.memory_space<hbm>> -> memref<32768xi32, #tpu.memory_space<hbm>>
      tpu.enqueue_dma source(%dma_start3A_47 : memref<32768xi32, #tpu.memory_space<hbm>>) target(%arg8 : memref<32768xi32, #tpu.memory_space<vmem>>) target_semaphore(%run_scoped3A : memref<!tpu.dma_semaphore, #tpu.memory_space<semaphore_mem>>)
      %dma_wait3A = arith.constant 0 : i32
      %dma_wait3A_48 = tpu.memref_slice %arg4[%select_n3A, %dma_wait3A] : memref<8x32768xi32, #tpu.memory_space<hbm>> -> memref<1x32768xi32, #tpu.memory_space<hbm>>
      %dma_wait3A_49 = tpu.memref_squeeze %dma_wait3A_48 : memref<1x32768xi32, #tpu.memory_space<hbm>> -> memref<32768xi32, #tpu.memory_space<hbm>>
      %dma_wait3A_50 = arith.constant 0 : i32
      %dma_wait3A_51 = tpu.memref_slice %arg4[%select_n3A, %dma_wait3A_50] : memref<8x32768xi32, #tpu.memory_space<hbm>> -> memref<1x32768xi32, #tpu.memory_space<hbm>>
      %dma_wait3A_52 = tpu.memref_squeeze %dma_wait3A_51 : memref<1x32768xi32, #tpu.memory_space<hbm>> -> memref<32768xi32, #tpu.memory_space<hbm>>
      tpu.wait_dma2 semaphore(%run_scoped3A : memref<!tpu.dma_semaphore, #tpu.memory_space<semaphore_mem>>) src(%dma_wait3A_52 : memref<32768xi32, #tpu.memory_space<hbm>>) dst(%arg8 : memref<32768xi32, #tpu.memory_space<vmem>>)
      tpu.yield
    }) : () -> ()
    %iota3A = tpu.iota {dimensions = array<i32: 0>} : vector<16xi32>
    %mul3A_31 = arith.constant 16 : i32
    %mul3A_32 = vector.broadcast %mul3A_31 : i32 to vector<16xi32>
    %mul3A_33 = arith.muli %iota3A, %mul3A_32 : vector<16xi32>
    %scan3A = arith.constant 0 : i32
    %scan3A_34 = arith.constant 0 : i32
    %scan3A_35 = arith.constant 32 : i32
    %scan3A_36 = arith.addi %scan3A_34, %scan3A_35 : i32
    %scan3A_37 = arith.constant 1 : i32
    %scan3A_38 = scf.for %scan3A_43 = %scan3A_34 to %scan3A_36 step %scan3A_37 iter_args(%scan3A_44 = %scan3A) -> (i32)  : i32 {
      %mul3A_45 = arith.constant 32 : i32
      %mul3A_46 = arith.muli %select_n3A_30, %mul3A_45 : i32
      %add3A_47 = arith.addi %mul3A_46, %scan3A_43 : i32
      "tpu.region"() ({
        %run_scoped3A = tpu.sem_alloc : memref<!tpu.dma_semaphore, #tpu.memory_space<semaphore_mem>>
        %dma_start3A = arith.constant 0 : i32
        %dma_start3A_63 = tpu.memref_slice %arg2[%select_n3A, %add3A_47, %dma_start3A] : memref<8x128x2048xf32, #tpu.memory_space<hbm>> -> memref<1x1x2048xf32, #tpu.memory_space<hbm>>
        %dma_start3A_64 = tpu.memref_squeeze %dma_start3A_63 : memref<1x1x2048xf32, #tpu.memory_space<hbm>> -> memref<2048xf32, #tpu.memory_space<hbm>>
        %dma_start3A_65 = arith.constant 0 : i32
        %dma_start3A_66 = tpu.memref_slice %arg2[%select_n3A, %add3A_47, %dma_start3A_65] : memref<8x128x2048xf32, #tpu.memory_space<hbm>> -> memref<1x1x2048xf32, #tpu.memory_space<hbm>>
        %dma_start3A_67 = tpu.memref_squeeze %dma_start3A_66 : memref<1x1x2048xf32, #tpu.memory_space<hbm>> -> memref<2048xf32, #tpu.memory_space<hbm>>
        tpu.enqueue_dma source(%dma_start3A_67 : memref<2048xf32, #tpu.memory_space<hbm>>) target(%arg9 : memref<2048xf32, #tpu.memory_space<vmem>>) target_semaphore(%run_scoped3A : memref<!tpu.dma_semaphore, #tpu.memory_space<semaphore_mem>>)
        %dma_wait3A = arith.constant 0 : i32
        %dma_wait3A_68 = tpu.memref_slice %arg2[%select_n3A, %add3A_47, %dma_wait3A] : memref<8x128x2048xf32, #tpu.memory_space<hbm>> -> memref<1x1x2048xf32, #tpu.memory_space<hbm>>
        %dma_wait3A_69 = tpu.memref_squeeze %dma_wait3A_68 : memref<1x1x2048xf32, #tpu.memory_space<hbm>> -> memref<2048xf32, #tpu.memory_space<hbm>>
        %dma_wait3A_70 = arith.constant 0 : i32
        %dma_wait3A_71 = tpu.memref_slice %arg2[%select_n3A, %add3A_47, %dma_wait3A_70] : memref<8x128x2048xf32, #tpu.memory_space<hbm>> -> memref<1x1x2048xf32, #tpu.memory_space<hbm>>
        %dma_wait3A_72 = tpu.memref_squeeze %dma_wait3A_71 : memref<1x1x2048xf32, #tpu.memory_space<hbm>> -> memref<2048xf32, #tpu.memory_space<hbm>>
        tpu.wait_dma2 semaphore(%run_scoped3A : memref<!tpu.dma_semaphore, #tpu.memory_space<semaphore_mem>>) src(%dma_wait3A_72 : memref<2048xf32, #tpu.memory_space<hbm>>) dst(%arg9 : memref<2048xf32, #tpu.memory_space<vmem>>)
        tpu.yield
      }) : () -> ()
      %scan3A_48 = arith.constant 0 : i32
      %scan3A_49 = arith.constant 0 : i32
      %scan3A_50 = arith.constant 2048 : i32
      %scan3A_51 = arith.addi %scan3A_49, %scan3A_50 : i32
      %scan3A_52 = arith.constant 1 : i32
      %scan3A_53 = scf.for %scan3A_63 = %scan3A_49 to %scan3A_51 step %scan3A_52 iter_args(%scan3A_64 = %scan3A_48) -> (i32)  : i32 {
        %mul3A_65 = arith.constant 16 : i32
        %mul3A_66 = arith.muli %scan3A_63, %mul3A_65 : i32
        %get3A = arith.index_cast %mul3A_66 : i32 to index
        %get3A_67 = tpu.vector_load %arg8[%get3A] {strides = array<i32>} : memref<32768xi32, #tpu.memory_space<vmem>>, vector<16xi32>,
        %gather3A = tpu.vector_load_idx %arg9[%get3A_67] : memref<2048xf32, #tpu.memory_space<vmem>>[vector<16xi32>], vector<16xf32>,
        %mul3A_68 = arith.constant 16 : i32
        %mul3A_69 = arith.muli %scan3A_63, %mul3A_68 : i32
        %swap3A = arith.index_cast %mul3A_69 : i32 to index
        %swap3A_70 = tpu.vector_load %arg10[%swap3A] {strides = array<i32>} : memref<32768xf32, #tpu.memory_space<vmem>>, vector<16xf32>,
        tpu.vector_store %arg10[%swap3A], %gather3A {strides = array<i32>} : memref<32768xf32, #tpu.memory_space<vmem>>, vector<16xf32>,
        %scan3A_71 = arith.constant 0 : i32
        scf.yield %scan3A_71 : i32
      }
      %scan3A_54 = arith.constant 2048 : i32
      %scan3A_55 = arith.constant 0 : i32
      %scan3A_56 = arith.constant 0 : i32
      %scan3A_57 = arith.constant 128 : i32
      %scan3A_58 = arith.addi %scan3A_56, %scan3A_57 : i32
      %scan3A_59 = arith.constant 1 : i32
      %scan3A_60 = scf.for %scan3A_63 = %scan3A_56 to %scan3A_58 step %scan3A_59 iter_args(%scan3A_64 = %scan3A_55) -> (i32)  : i32 {
        %mul3A_65 = arith.constant 256 : i32
        %mul3A_66 = arith.muli %scan3A_63, %mul3A_65 : i32
        %add3A_67 = vector.broadcast %mul3A_66 : i32 to vector<16xi32>
        %add3A_68 = arith.addi %mul3A_33, %add3A_67 : vector<16xi32>
        %gather3A = tpu.vector_load_idx %arg10[%add3A_68] : memref<32768xf32, #tpu.memory_space<vmem>>[vector<16xi32>], vector<16xf32>,
        %add3A_69 = arith.constant 1 : i32
        %add3A_70 = arith.addi %mul3A_66, %add3A_69 : i32
        %add3A_71 = vector.broadcast %add3A_70 : i32 to vector<16xi32>
        %add3A_72 = arith.addi %mul3A_33, %add3A_71 : vector<16xi32>
        %gather3A_73 = tpu.vector_load_idx %arg10[%add3A_72] : memref<32768xf32, #tpu.memory_space<vmem>>[vector<16xi32>], vector<16xf32>,
        %max3A = arith.maximumf %gather3A, %gather3A_73 : vector<16xf32>
        %add3A_74 = arith.constant 2 : i32
        %add3A_75 = arith.addi %mul3A_66, %add3A_74 : i32
        %add3A_76 = vector.broadcast %add3A_75 : i32 to vector<16xi32>
        %add3A_77 = arith.addi %mul3A_33, %add3A_76 : vector<16xi32>
        %gather3A_78 = tpu.vector_load_idx %arg10[%add3A_77] : memref<32768xf32, #tpu.memory_space<vmem>>[vector<16xi32>], vector<16xf32>,
        %max3A_79 = arith.maximumf %max3A, %gather3A_78 : vector<16xf32>
        %add3A_80 = arith.constant 3 : i32
        %add3A_81 = arith.addi %mul3A_66, %add3A_80 : i32
        %add3A_82 = vector.broadcast %add3A_81 : i32 to vector<16xi32>
        %add3A_83 = arith.addi %mul3A_33, %add3A_82 : vector<16xi32>
        %gather3A_84 = tpu.vector_load_idx %arg10[%add3A_83] : memref<32768xf32, #tpu.memory_space<vmem>>[vector<16xi32>], vector<16xf32>,
        %max3A_85 = arith.maximumf %max3A_79, %gather3A_84 : vector<16xf32>
        %add3A_86 = arith.constant 4 : i32
        %add3A_87 = arith.addi %mul3A_66, %add3A_86 : i32
        %add3A_88 = vector.broadcast %add3A_87 : i32 to vector<16xi32>
        %add3A_89 = arith.addi %mul3A_33, %add3A_88 : vector<16xi32>
        %gather3A_90 = tpu.vector_load_idx %arg10[%add3A_89] : memref<32768xf32, #tpu.memory_space<vmem>>[vector<16xi32>], vector<16xf32>,
        %max3A_91 = arith.maximumf %max3A_85, %gather3A_90 : vector<16xf32>
        %add3A_92 = arith.constant 5 : i32
        %add3A_93 = arith.addi %mul3A_66, %add3A_92 : i32
        %add3A_94 = vector.broadcast %add3A_93 : i32 to vector<16xi32>
        %add3A_95 = arith.addi %mul3A_33, %add3A_94 : vector<16xi32>
        %gather3A_96 = tpu.vector_load_idx %arg10[%add3A_95] : memref<32768xf32, #tpu.memory_space<vmem>>[vector<16xi32>], vector<16xf32>,
        %max3A_97 = arith.maximumf %max3A_91, %gather3A_96 : vector<16xf32>
        %add3A_98 = arith.constant 6 : i32
        %add3A_99 = arith.addi %mul3A_66, %add3A_98 : i32
        %add3A_100 = vector.broadcast %add3A_99 : i32 to vector<16xi32>
        %add3A_101 = arith.addi %mul3A_33, %add3A_100 : vector<16xi32>
        %gather3A_102 = tpu.vector_load_idx %arg10[%add3A_101] : memref<32768xf32, #tpu.memory_space<vmem>>[vector<16xi32>], vector<16xf32>,
        %max3A_103 = arith.maximumf %max3A_97, %gather3A_102 : vector<16xf32>
        %add3A_104 = arith.constant 7 : i32
        %add3A_105 = arith.addi %mul3A_66, %add3A_104 : i32
        %add3A_106 = vector.broadcast %add3A_105 : i32 to vector<16xi32>
        %add3A_107 = arith.addi %mul3A_33, %add3A_106 : vector<16xi32>
        %gather3A_108 = tpu.vector_load_idx %arg10[%add3A_107] : memref<32768xf32, #tpu.memory_space<vmem>>[vector<16xi32>], vector<16xf32>,
        %max3A_109 = arith.maximumf %max3A_103, %gather3A_108 : vector<16xf32>
        %add3A_110 = arith.constant 8 : i32
        %add3A_111 = arith.addi %mul3A_66, %add3A_110 : i32
        %add3A_112 = vector.broadcast %add3A_111 : i32 to vector<16xi32>
        %add3A_113 = arith.addi %mul3A_33, %add3A_112 : vector<16xi32>
        %gather3A_114 = tpu.vector_load_idx %arg10[%add3A_113] : memref<32768xf32, #tpu.memory_space<vmem>>[vector<16xi32>], vector<16xf32>,
        %max3A_115 = arith.maximumf %max3A_109, %gather3A_114 : vector<16xf32>
        %add3A_116 = arith.constant 9 : i32
        %add3A_117 = arith.addi %mul3A_66, %add3A_116 : i32
        %add3A_118 = vector.broadcast %add3A_117 : i32 to vector<16xi32>
        %add3A_119 = arith.addi %mul3A_33, %add3A_118 : vector<16xi32>
        %gather3A_120 = tpu.vector_load_idx %arg10[%add3A_119] : memref<32768xf32, #tpu.memory_space<vmem>>[vector<16xi32>], vector<16xf32>,
        %max3A_121 = arith.maximumf %max3A_115, %gather3A_120 : vector<16xf32>
        %add3A_122 = arith.constant 10 : i32
        %add3A_123 = arith.addi %mul3A_66, %add3A_122 : i32
        %add3A_124 = vector.broadcast %add3A_123 : i32 to vector<16xi32>
        %add3A_125 = arith.addi %mul3A_33, %add3A_124 : vector<16xi32>
        %gather3A_126 = tpu.vector_load_idx %arg10[%add3A_125] : memref<32768xf32, #tpu.memory_space<vmem>>[vector<16xi32>], vector<16xf32>,
        %max3A_127 = arith.maximumf %max3A_121, %gather3A_126 : vector<16xf32>
        %add3A_128 = arith.constant 11 : i32
        %add3A_129 = arith.addi %mul3A_66, %add3A_128 : i32
        %add3A_130 = vector.broadcast %add3A_129 : i32 to vector<16xi32>
        %add3A_131 = arith.addi %mul3A_33, %add3A_130 : vector<16xi32>
        %gather3A_132 = tpu.vector_load_idx %arg10[%add3A_131] : memref<32768xf32, #tpu.memory_space<vmem>>[vector<16xi32>], vector<16xf32>,
        %max3A_133 = arith.maximumf %max3A_127, %gather3A_132 : vector<16xf32>
        %add3A_134 = arith.constant 12 : i32
        %add3A_135 = arith.addi %mul3A_66, %add3A_134 : i32
        %add3A_136 = vector.broadcast %add3A_135 : i32 to vector<16xi32>
        %add3A_137 = arith.addi %mul3A_33, %add3A_136 : vector<16xi32>
        %gather3A_138 = tpu.vector_load_idx %arg10[%add3A_137] : memref<32768xf32, #tpu.memory_space<vmem>>[vector<16xi32>], vector<16xf32>,
        %max3A_139 = arith.maximumf %max3A_133, %gather3A_138 : vector<16xf32>
        %add3A_140 = arith.constant 13 : i32
        %add3A_141 = arith.addi %mul3A_66, %add3A_140 : i32
        %add3A_142 = vector.broadcast %add3A_141 : i32 to vector<16xi32>
        %add3A_143 = arith.addi %mul3A_33, %add3A_142 : vector<16xi32>
        %gather3A_144 = tpu.vector_load_idx %arg10[%add3A_143] : memref<32768xf32, #tpu.memory_space<vmem>>[vector<16xi32>], vector<16xf32>,
        %max3A_145 = arith.maximumf %max3A_139, %gather3A_144 : vector<16xf32>
        %add3A_146 = arith.constant 14 : i32
        %add3A_147 = arith.addi %mul3A_66, %add3A_146 : i32
        %add3A_148 = vector.broadcast %add3A_147 : i32 to vector<16xi32>
        %add3A_149 = arith.addi %mul3A_33, %add3A_148 : vector<16xi32>
        %gather3A_150 = tpu.vector_load_idx %arg10[%add3A_149] : memref<32768xf32, #tpu.memory_space<vmem>>[vector<16xi32>], vector<16xf32>,
        %max3A_151 = arith.maximumf %max3A_145, %gather3A_150 : vector<16xf32>
        %add3A_152 = arith.constant 15 : i32
        %add3A_153 = arith.addi %mul3A_66, %add3A_152 : i32
        %add3A_154 = vector.broadcast %add3A_153 : i32 to vector<16xi32>
        %add3A_155 = arith.addi %mul3A_33, %add3A_154 : vector<16xi32>
        %gather3A_156 = tpu.vector_load_idx %arg10[%add3A_155] : memref<32768xf32, #tpu.memory_space<vmem>>[vector<16xi32>], vector<16xf32>,
        %max3A_157 = arith.maximumf %max3A_151, %gather3A_156 : vector<16xf32>
        %mul3A_158 = arith.constant 16 : i32
        %mul3A_159 = arith.muli %scan3A_63, %mul3A_158 : i32
        %swap3A = arith.index_cast %mul3A_159 : i32 to index
        %swap3A_160 = tpu.vector_load %arg11[%swap3A] {strides = array<i32>} : memref<2048xf32, #tpu.memory_space<vmem>>, vector<16xf32>,
        tpu.vector_store %arg11[%swap3A], %max3A_157 {strides = array<i32>} : memref<2048xf32, #tpu.memory_space<vmem>>, vector<16xf32>,
        %scan3A_161 = arith.constant 0 : i32
        scf.yield %scan3A_161 : i32
      }
      %scan3A_61 = arith.constant 128 : i32
      "tpu.region"() ({
        %run_scoped3A = tpu.sem_alloc : memref<!tpu.dma_semaphore, #tpu.memory_space<semaphore_mem>>
        %dma_start3A = arith.constant 0 : i32
        %dma_start3A_63 = tpu.memref_slice %arg6[%select_n3A, %add3A_47, %dma_start3A] : memref<8x128x32768xf32, #tpu.memory_space<hbm>> -> memref<1x1x32768xf32, #tpu.memory_space<hbm>>
        %dma_start3A_64 = tpu.memref_squeeze %dma_start3A_63 : memref<1x1x32768xf32, #tpu.memory_space<hbm>> -> memref<32768xf32, #tpu.memory_space<hbm>>
        %dma_start3A_65 = arith.constant 0 : i32
        %dma_start3A_66 = tpu.memref_slice %arg6[%select_n3A, %add3A_47, %dma_start3A_65] : memref<8x128x32768xf32, #tpu.memory_space<hbm>> -> memref<1x1x32768xf32, #tpu.memory_space<hbm>>
        %dma_start3A_67 = tpu.memref_squeeze %dma_start3A_66 : memref<1x1x32768xf32, #tpu.memory_space<hbm>> -> memref<32768xf32, #tpu.memory_space<hbm>>
        tpu.enqueue_dma source(%arg10 : memref<32768xf32, #tpu.memory_space<vmem>>) target(%dma_start3A_67 : memref<32768xf32, #tpu.memory_space<hbm>>) target_semaphore(%run_scoped3A : memref<!tpu.dma_semaphore, #tpu.memory_space<semaphore_mem>>)
        %dma_wait3A = arith.constant 0 : i32
        %dma_wait3A_68 = tpu.memref_slice %arg6[%select_n3A, %add3A_47, %dma_wait3A] : memref<8x128x32768xf32, #tpu.memory_space<hbm>> -> memref<1x1x32768xf32, #tpu.memory_space<hbm>>
        %dma_wait3A_69 = tpu.memref_squeeze %dma_wait3A_68 : memref<1x1x32768xf32, #tpu.memory_space<hbm>> -> memref<32768xf32, #tpu.memory_space<hbm>>
        %dma_wait3A_70 = arith.constant 0 : i32
        %dma_wait3A_71 = tpu.memref_slice %arg6[%select_n3A, %add3A_47, %dma_wait3A_70] : memref<8x128x32768xf32, #tpu.memory_space<hbm>> -> memref<1x1x32768xf32, #tpu.memory_space<hbm>>
        %dma_wait3A_72 = tpu.memref_squeeze %dma_wait3A_71 : memref<1x1x32768xf32, #tpu.memory_space<hbm>> -> memref<32768xf32, #tpu.memory_space<hbm>>
        tpu.wait_dma2 semaphore(%run_scoped3A : memref<!tpu.dma_semaphore, #tpu.memory_space<semaphore_mem>>) src(%arg10 : memref<32768xf32, #tpu.memory_space<vmem>>) dst(%dma_wait3A_72 : memref<32768xf32, #tpu.memory_space<hbm>>)
        tpu.yield
      }) : () -> ()
      "tpu.region"() ({
        %run_scoped3A = tpu.sem_alloc : memref<!tpu.dma_semaphore, #tpu.memory_space<semaphore_mem>>
        %dma_start3A = arith.constant 0 : i32
        %dma_start3A_63 = tpu.memref_slice %arg5[%select_n3A, %add3A_47, %dma_start3A] : memref<8x128x2048xf32, #tpu.memory_space<hbm>> -> memref<1x1x2048xf32, #tpu.memory_space<hbm>>
        %dma_start3A_64 = tpu.memref_squeeze %dma_start3A_63 : memref<1x1x2048xf32, #tpu.memory_space<hbm>> -> memref<2048xf32, #tpu.memory_space<hbm>>
        %dma_start3A_65 = arith.constant 0 : i32
        %dma_start3A_66 = tpu.memref_slice %arg5[%select_n3A, %add3A_47, %dma_start3A_65] : memref<8x128x2048xf32, #tpu.memory_space<hbm>> -> memref<1x1x2048xf32, #tpu.memory_space<hbm>>
        %dma_start3A_67 = tpu.memref_squeeze %dma_start3A_66 : memref<1x1x2048xf32, #tpu.memory_space<hbm>> -> memref<2048xf32, #tpu.memory_space<hbm>>
        tpu.enqueue_dma source(%arg11 : memref<2048xf32, #tpu.memory_space<vmem>>) target(%dma_start3A_67 : memref<2048xf32, #tpu.memory_space<hbm>>) target_semaphore(%run_scoped3A : memref<!tpu.dma_semaphore, #tpu.memory_space<semaphore_mem>>)
        %dma_wait3A = arith.constant 0 : i32
        %dma_wait3A_68 = tpu.memref_slice %arg5[%select_n3A, %add3A_47, %dma_wait3A] : memref<8x128x2048xf32, #tpu.memory_space<hbm>> -> memref<1x1x2048xf32, #tpu.memory_space<hbm>>
        %dma_wait3A_69 = tpu.memref_squeeze %dma_wait3A_68 : memref<1x1x2048xf32, #tpu.memory_space<hbm>> -> memref<2048xf32, #tpu.memory_space<hbm>>
        %dma_wait3A_70 = arith.constant 0 : i32
        %dma_wait3A_71 = tpu.memref_slice %arg5[%select_n3A, %add3A_47, %dma_wait3A_70] : memref<8x128x2048xf32, #tpu.memory_space<hbm>> -> memref<1x1x2048xf32, #tpu.memory_space<hbm>>
        %dma_wait3A_72 = tpu.memref_squeeze %dma_wait3A_71 : memref<1x1x2048xf32, #tpu.memory_space<hbm>> -> memref<2048xf32, #tpu.memory_space<hbm>>
        tpu.wait_dma2 semaphore(%run_scoped3A : memref<!tpu.dma_semaphore, #tpu.memory_space<semaphore_mem>>) src(%arg11 : memref<2048xf32, #tpu.memory_space<vmem>>) dst(%dma_wait3A_72 : memref<2048xf32, #tpu.memory_space<hbm>>)
        tpu.yield
      }) : () -> ()
      %scan3A_62 = arith.constant 0 : i32
      scf.yield %scan3A_62 : i32
    }
    %scan3A_39 = arith.constant 32 : i32
    %lt3A_40 = arith.constant 3 : i32
    %lt3A_41 = arith.cmpi slt, %select_n3A_30, %lt3A_40 : i32
    %convert_element_type3A = arith.extui %lt3A_41 : i1 to i32
    %cond3A = arith.constant 0 : i32
    %cond3A_42 = arith.cmpi ne, %convert_element_type3A, %cond3A : i32
    scf.if %cond3A_42 {
      "tpu.region"() ({
        %run_scoped3A = tpu.sem_alloc : memref<!tpu.dma_semaphore, #tpu.memory_space<semaphore_mem>>
        %dma_start3A = arith.constant 0 : i32
        %dma_start3A_50 = tpu.memref_slice %arg3[%select_n3A, %select_n3A_30, %dma_start3A] : memref<8x3x2048xf32, #tpu.memory_space<hbm>> -> memref<1x1x2048xf32, #tpu.memory_space<hbm>>
        %dma_start3A_51 = tpu.memref_squeeze %dma_start3A_50 : memref<1x1x2048xf32, #tpu.memory_space<hbm>> -> memref<2048xf32, #tpu.memory_space<hbm>>
        %dma_start3A_52 = arith.constant 0 : i32
        %dma_start3A_53 = tpu.memref_slice %arg3[%select_n3A, %select_n3A_30, %dma_start3A_52] : memref<8x3x2048xf32, #tpu.memory_space<hbm>> -> memref<1x1x2048xf32, #tpu.memory_space<hbm>>
        %dma_start3A_54 = tpu.memref_squeeze %dma_start3A_53 : memref<1x1x2048xf32, #tpu.memory_space<hbm>> -> memref<2048xf32, #tpu.memory_space<hbm>>
        tpu.enqueue_dma source(%dma_start3A_54 : memref<2048xf32, #tpu.memory_space<hbm>>) target(%arg9 : memref<2048xf32, #tpu.memory_space<vmem>>) target_semaphore(%run_scoped3A : memref<!tpu.dma_semaphore, #tpu.memory_space<semaphore_mem>>)
        %dma_wait3A = arith.constant 0 : i32
        %dma_wait3A_55 = tpu.memref_slice %arg3[%select_n3A, %select_n3A_30, %dma_wait3A] : memref<8x3x2048xf32, #tpu.memory_space<hbm>> -> memref<1x1x2048xf32, #tpu.memory_space<hbm>>
        %dma_wait3A_56 = tpu.memref_squeeze %dma_wait3A_55 : memref<1x1x2048xf32, #tpu.memory_space<hbm>> -> memref<2048xf32, #tpu.memory_space<hbm>>
        %dma_wait3A_57 = arith.constant 0 : i32
        %dma_wait3A_58 = tpu.memref_slice %arg3[%select_n3A, %select_n3A_30, %dma_wait3A_57] : memref<8x3x2048xf32, #tpu.memory_space<hbm>> -> memref<1x1x2048xf32, #tpu.memory_space<hbm>>
        %dma_wait3A_59 = tpu.memref_squeeze %dma_wait3A_58 : memref<1x1x2048xf32, #tpu.memory_space<hbm>> -> memref<2048xf32, #tpu.memory_space<hbm>>
        tpu.wait_dma2 semaphore(%run_scoped3A : memref<!tpu.dma_semaphore, #tpu.memory_space<semaphore_mem>>) src(%dma_wait3A_59 : memref<2048xf32, #tpu.memory_space<hbm>>) dst(%arg9 : memref<2048xf32, #tpu.memory_space<vmem>>)
        tpu.yield
      }) : () -> ()
      %scan3A_43 = arith.constant 0 : i32
      %scan3A_44 = arith.constant 0 : i32
      %scan3A_45 = arith.constant 128 : i32
      %scan3A_46 = arith.addi %scan3A_44, %scan3A_45 : i32
      %scan3A_47 = arith.constant 1 : i32
      %scan3A_48 = scf.for %scan3A_50 = %scan3A_44 to %scan3A_46 step %scan3A_47 iter_args(%scan3A_51 = %scan3A_43) -> (i32)  : i32 {
        %mul3A_52 = arith.constant 16 : i32
        %mul3A_53 = arith.muli %scan3A_50, %mul3A_52 : i32
        %get3A = arith.index_cast %mul3A_53 : i32 to index
        %get3A_54 = tpu.vector_load %arg9[%get3A] {strides = array<i32>} : memref<2048xf32, #tpu.memory_space<vmem>>, vector<16xf32>,
        %mul3A_55 = arith.constant 16 : i32
        %mul3A_56 = arith.muli %scan3A_50, %mul3A_55 : i32
        %add3A_57 = arith.constant 0 : i32
        %add3A_58 = arith.addi %mul3A_56, %add3A_57 : i32
        %mul3A_59 = arith.constant 16 : i32
        %mul3A_60 = arith.muli %add3A_58, %mul3A_59 : i32
        %get3A_61 = arith.index_cast %mul3A_60 : i32 to index
        %get3A_62 = tpu.vector_load %arg8[%get3A_61] {strides = array<i32>} : memref<32768xi32, #tpu.memory_space<vmem>>, vector<16xi32>,
        %gather3A = tpu.vector_load_idx %arg9[%get3A_62] : memref<2048xf32, #tpu.memory_space<vmem>>[vector<16xi32>], vector<16xf32>,
        %slice3A = vector.extract_strided_slice %get3A_54 {offsets = [0], sizes = [1], strides = [1]} : vector<16xf32> to vector<1xf32>
        %squeeze3A = vector.extract %slice3A[0] : f32 from vector<1xf32>
        %sub3A_63 = vector.broadcast %squeeze3A : f32 to vector<16xf32>
        %sub3A_64 = arith.subf %sub3A_63, %gather3A : vector<16xf32>
        %mul3A_65 = arith.constant 16 : i32
        %mul3A_66 = arith.muli %add3A_58, %mul3A_65 : i32
        %swap3A = arith.index_cast %mul3A_66 : i32 to index
        %swap3A_67 = tpu.vector_load %arg10[%swap3A] {strides = array<i32>} : memref<32768xf32, #tpu.memory_space<vmem>>, vector<16xf32>,
        tpu.vector_store %arg10[%swap3A], %sub3A_64 {strides = array<i32>} : memref<32768xf32, #tpu.memory_space<vmem>>, vector<16xf32>,
        %mul3A_68 = arith.constant 16 : i32
        %mul3A_69 = arith.muli %scan3A_50, %mul3A_68 : i32
        %add3A_70 = arith.constant 1 : i32
        %add3A_71 = arith.addi %mul3A_69, %add3A_70 : i32
        %mul3A_72 = arith.constant 16 : i32
        %mul3A_73 = arith.muli %add3A_71, %mul3A_72 : i32
        %get3A_74 = arith.index_cast %mul3A_73 : i32 to index
        %get3A_75 = tpu.vector_load %arg8[%get3A_74] {strides = array<i32>} : memref<32768xi32, #tpu.memory_space<vmem>>, vector<16xi32>,
        %gather3A_76 = tpu.vector_load_idx %arg9[%get3A_75] : memref<2048xf32, #tpu.memory_space<vmem>>[vector<16xi32>], vector<16xf32>,
        %slice3A_77 = vector.extract_strided_slice %get3A_54 {offsets = [1], sizes = [1], strides = [1]} : vector<16xf32> to vector<1xf32>
        %squeeze3A_78 = vector.extract %slice3A_77[0] : f32 from vector<1xf32>
        %sub3A_79 = vector.broadcast %squeeze3A_78 : f32 to vector<16xf32>
        %sub3A_80 = arith.subf %sub3A_79, %gather3A_76 : vector<16xf32>
        %mul3A_81 = arith.constant 16 : i32
        %mul3A_82 = arith.muli %add3A_71, %mul3A_81 : i32
        %swap3A_83 = arith.index_cast %mul3A_82 : i32 to index
        %swap3A_84 = tpu.vector_load %arg10[%swap3A_83] {strides = array<i32>} : memref<32768xf32, #tpu.memory_space<vmem>>, vector<16xf32>,
        tpu.vector_store %arg10[%swap3A_83], %sub3A_80 {strides = array<i32>} : memref<32768xf32, #tpu.memory_space<vmem>>, vector<16xf32>,
        %mul3A_85 = arith.constant 16 : i32
        %mul3A_86 = arith.muli %scan3A_50, %mul3A_85 : i32
        %add3A_87 = arith.constant 2 : i32
        %add3A_88 = arith.addi %mul3A_86, %add3A_87 : i32
        %mul3A_89 = arith.constant 16 : i32
        %mul3A_90 = arith.muli %add3A_88, %mul3A_89 : i32
        %get3A_91 = arith.index_cast %mul3A_90 : i32 to index
        %get3A_92 = tpu.vector_load %arg8[%get3A_91] {strides = array<i32>} : memref<32768xi32, #tpu.memory_space<vmem>>, vector<16xi32>,
        %gather3A_93 = tpu.vector_load_idx %arg9[%get3A_92] : memref<2048xf32, #tpu.memory_space<vmem>>[vector<16xi32>], vector<16xf32>,
        %slice3A_94 = vector.extract_strided_slice %get3A_54 {offsets = [2], sizes = [1], strides = [1]} : vector<16xf32> to vector<1xf32>
        %squeeze3A_95 = vector.extract %slice3A_94[0] : f32 from vector<1xf32>
        %sub3A_96 = vector.broadcast %squeeze3A_95 : f32 to vector<16xf32>
        %sub3A_97 = arith.subf %sub3A_96, %gather3A_93 : vector<16xf32>
        %mul3A_98 = arith.constant 16 : i32
        %mul3A_99 = arith.muli %add3A_88, %mul3A_98 : i32
        %swap3A_100 = arith.index_cast %mul3A_99 : i32 to index
        %swap3A_101 = tpu.vector_load %arg10[%swap3A_100] {strides = array<i32>} : memref<32768xf32, #tpu.memory_space<vmem>>, vector<16xf32>,
        tpu.vector_store %arg10[%swap3A_100], %sub3A_97 {strides = array<i32>} : memref<32768xf32, #tpu.memory_space<vmem>>, vector<16xf32>,
        %mul3A_102 = arith.constant 16 : i32
        %mul3A_103 = arith.muli %scan3A_50, %mul3A_102 : i32
        %add3A_104 = arith.constant 3 : i32
        %add3A_105 = arith.addi %mul3A_103, %add3A_104 : i32
        %mul3A_106 = arith.constant 16 : i32
        %mul3A_107 = arith.muli %add3A_105, %mul3A_106 : i32
        %get3A_108 = arith.index_cast %mul3A_107 : i32 to index
        %get3A_109 = tpu.vector_load %arg8[%get3A_108] {strides = array<i32>} : memref<32768xi32, #tpu.memory_space<vmem>>, vector<16xi32>,
        %gather3A_110 = tpu.vector_load_idx %arg9[%get3A_109] : memref<2048xf32, #tpu.memory_space<vmem>>[vector<16xi32>], vector<16xf32>,
        %slice3A_111 = vector.extract_strided_slice %get3A_54 {offsets = [3], sizes = [1], strides = [1]} : vector<16xf32> to vector<1xf32>
        %squeeze3A_112 = vector.extract %slice3A_111[0] : f32 from vector<1xf32>
        %sub3A_113 = vector.broadcast %squeeze3A_112 : f32 to vector<16xf32>
        %sub3A_114 = arith.subf %sub3A_113, %gather3A_110 : vector<16xf32>
        %mul3A_115 = arith.constant 16 : i32
        %mul3A_116 = arith.muli %add3A_105, %mul3A_115 : i32
        %swap3A_117 = arith.index_cast %mul3A_116 : i32 to index
        %swap3A_118 = tpu.vector_load %arg10[%swap3A_117] {strides = array<i32>} : memref<32768xf32, #tpu.memory_space<vmem>>, vector<16xf32>,
        tpu.vector_store %arg10[%swap3A_117], %sub3A_114 {strides = array<i32>} : memref<32768xf32, #tpu.memory_space<vmem>>, vector<16xf32>,
        %mul3A_119 = arith.constant 16 : i32
        %mul3A_120 = arith.muli %scan3A_50, %mul3A_119 : i32
        %add3A_121 = arith.constant 4 : i32
        %add3A_122 = arith.addi %mul3A_120, %add3A_121 : i32
        %mul3A_123 = arith.constant 16 : i32
        %mul3A_124 = arith.muli %add3A_122, %mul3A_123 : i32
        %get3A_125 = arith.index_cast %mul3A_124 : i32 to index
        %get3A_126 = tpu.vector_load %arg8[%get3A_125] {strides = array<i32>} : memref<32768xi32, #tpu.memory_space<vmem>>, vector<16xi32>,
        %gather3A_127 = tpu.vector_load_idx %arg9[%get3A_126] : memref<2048xf32, #tpu.memory_space<vmem>>[vector<16xi32>], vector<16xf32>,
        %slice3A_128 = vector.extract_strided_slice %get3A_54 {offsets = [4], sizes = [1], strides = [1]} : vector<16xf32> to vector<1xf32>
        %squeeze3A_129 = vector.extract %slice3A_128[0] : f32 from vector<1xf32>
        %sub3A_130 = vector.broadcast %squeeze3A_129 : f32 to vector<16xf32>
        %sub3A_131 = arith.subf %sub3A_130, %gather3A_127 : vector<16xf32>
        %mul3A_132 = arith.constant 16 : i32
        %mul3A_133 = arith.muli %add3A_122, %mul3A_132 : i32
        %swap3A_134 = arith.index_cast %mul3A_133 : i32 to index
        %swap3A_135 = tpu.vector_load %arg10[%swap3A_134] {strides = array<i32>} : memref<32768xf32, #tpu.memory_space<vmem>>, vector<16xf32>,
        tpu.vector_store %arg10[%swap3A_134], %sub3A_131 {strides = array<i32>} : memref<32768xf32, #tpu.memory_space<vmem>>, vector<16xf32>,
        %mul3A_136 = arith.constant 16 : i32
        %mul3A_137 = arith.muli %scan3A_50, %mul3A_136 : i32
        %add3A_138 = arith.constant 5 : i32
        %add3A_139 = arith.addi %mul3A_137, %add3A_138 : i32
        %mul3A_140 = arith.constant 16 : i32
        %mul3A_141 = arith.muli %add3A_139, %mul3A_140 : i32
        %get3A_142 = arith.index_cast %mul3A_141 : i32 to index
        %get3A_143 = tpu.vector_load %arg8[%get3A_142] {strides = array<i32>} : memref<32768xi32, #tpu.memory_space<vmem>>, vector<16xi32>,
        %gather3A_144 = tpu.vector_load_idx %arg9[%get3A_143] : memref<2048xf32, #tpu.memory_space<vmem>>[vector<16xi32>], vector<16xf32>,
        %slice3A_145 = vector.extract_strided_slice %get3A_54 {offsets = [5], sizes = [1], strides = [1]} : vector<16xf32> to vector<1xf32>
        %squeeze3A_146 = vector.extract %slice3A_145[0] : f32 from vector<1xf32>
        %sub3A_147 = vector.broadcast %squeeze3A_146 : f32 to vector<16xf32>
        %sub3A_148 = arith.subf %sub3A_147, %gather3A_144 : vector<16xf32>
        %mul3A_149 = arith.constant 16 : i32
        %mul3A_150 = arith.muli %add3A_139, %mul3A_149 : i32
        %swap3A_151 = arith.index_cast %mul3A_150 : i32 to index
        %swap3A_152 = tpu.vector_load %arg10[%swap3A_151] {strides = array<i32>} : memref<32768xf32, #tpu.memory_space<vmem>>, vector<16xf32>,
        tpu.vector_store %arg10[%swap3A_151], %sub3A_148 {strides = array<i32>} : memref<32768xf32, #tpu.memory_space<vmem>>, vector<16xf32>,
        %mul3A_153 = arith.constant 16 : i32
        %mul3A_154 = arith.muli %scan3A_50, %mul3A_153 : i32
        %add3A_155 = arith.constant 6 : i32
        %add3A_156 = arith.addi %mul3A_154, %add3A_155 : i32
        %mul3A_157 = arith.constant 16 : i32
        %mul3A_158 = arith.muli %add3A_156, %mul3A_157 : i32
        %get3A_159 = arith.index_cast %mul3A_158 : i32 to index
        %get3A_160 = tpu.vector_load %arg8[%get3A_159] {strides = array<i32>} : memref<32768xi32, #tpu.memory_space<vmem>>, vector<16xi32>,
        %gather3A_161 = tpu.vector_load_idx %arg9[%get3A_160] : memref<2048xf32, #tpu.memory_space<vmem>>[vector<16xi32>], vector<16xf32>,
        %slice3A_162 = vector.extract_strided_slice %get3A_54 {offsets = [6], sizes = [1], strides = [1]} : vector<16xf32> to vector<1xf32>
        %squeeze3A_163 = vector.extract %slice3A_162[0] : f32 from vector<1xf32>
        %sub3A_164 = vector.broadcast %squeeze3A_163 : f32 to vector<16xf32>
        %sub3A_165 = arith.subf %sub3A_164, %gather3A_161 : vector<16xf32>
        %mul3A_166 = arith.constant 16 : i32
        %mul3A_167 = arith.muli %add3A_156, %mul3A_166 : i32
        %swap3A_168 = arith.index_cast %mul3A_167 : i32 to index
        %swap3A_169 = tpu.vector_load %arg10[%swap3A_168] {strides = array<i32>} : memref<32768xf32, #tpu.memory_space<vmem>>, vector<16xf32>,
        tpu.vector_store %arg10[%swap3A_168], %sub3A_165 {strides = array<i32>} : memref<32768xf32, #tpu.memory_space<vmem>>, vector<16xf32>,
        %mul3A_170 = arith.constant 16 : i32
        %mul3A_171 = arith.muli %scan3A_50, %mul3A_170 : i32
        %add3A_172 = arith.constant 7 : i32
        %add3A_173 = arith.addi %mul3A_171, %add3A_172 : i32
        %mul3A_174 = arith.constant 16 : i32
        %mul3A_175 = arith.muli %add3A_173, %mul3A_174 : i32
        %get3A_176 = arith.index_cast %mul3A_175 : i32 to index
        %get3A_177 = tpu.vector_load %arg8[%get3A_176] {strides = array<i32>} : memref<32768xi32, #tpu.memory_space<vmem>>, vector<16xi32>,
        %gather3A_178 = tpu.vector_load_idx %arg9[%get3A_177] : memref<2048xf32, #tpu.memory_space<vmem>>[vector<16xi32>], vector<16xf32>,
        %slice3A_179 = vector.extract_strided_slice %get3A_54 {offsets = [7], sizes = [1], strides = [1]} : vector<16xf32> to vector<1xf32>
        %squeeze3A_180 = vector.extract %slice3A_179[0] : f32 from vector<1xf32>
        %sub3A_181 = vector.broadcast %squeeze3A_180 : f32 to vector<16xf32>
        %sub3A_182 = arith.subf %sub3A_181, %gather3A_178 : vector<16xf32>
        %mul3A_183 = arith.constant 16 : i32
        %mul3A_184 = arith.muli %add3A_173, %mul3A_183 : i32
        %swap3A_185 = arith.index_cast %mul3A_184 : i32 to index
        %swap3A_186 = tpu.vector_load %arg10[%swap3A_185] {strides = array<i32>} : memref<32768xf32, #tpu.memory_space<vmem>>, vector<16xf32>,
        tpu.vector_store %arg10[%swap3A_185], %sub3A_182 {strides = array<i32>} : memref<32768xf32, #tpu.memory_space<vmem>>, vector<16xf32>,
        %mul3A_187 = arith.constant 16 : i32
        %mul3A_188 = arith.muli %scan3A_50, %mul3A_187 : i32
        %add3A_189 = arith.constant 8 : i32
        %add3A_190 = arith.addi %mul3A_188, %add3A_189 : i32
        %mul3A_191 = arith.constant 16 : i32
        %mul3A_192 = arith.muli %add3A_190, %mul3A_191 : i32
        %get3A_193 = arith.index_cast %mul3A_192 : i32 to index
        %get3A_194 = tpu.vector_load %arg8[%get3A_193] {strides = array<i32>} : memref<32768xi32, #tpu.memory_space<vmem>>, vector<16xi32>,
        %gather3A_195 = tpu.vector_load_idx %arg9[%get3A_194] : memref<2048xf32, #tpu.memory_space<vmem>>[vector<16xi32>], vector<16xf32>,
        %slice3A_196 = vector.extract_strided_slice %get3A_54 {offsets = [8], sizes = [1], strides = [1]} : vector<16xf32> to vector<1xf32>
        %squeeze3A_197 = vector.extract %slice3A_196[0] : f32 from vector<1xf32>
        %sub3A_198 = vector.broadcast %squeeze3A_197 : f32 to vector<16xf32>
        %sub3A_199 = arith.subf %sub3A_198, %gather3A_195 : vector<16xf32>
        %mul3A_200 = arith.constant 16 : i32
        %mul3A_201 = arith.muli %add3A_190, %mul3A_200 : i32
        %swap3A_202 = arith.index_cast %mul3A_201 : i32 to index
        %swap3A_203 = tpu.vector_load %arg10[%swap3A_202] {strides = array<i32>} : memref<32768xf32, #tpu.memory_space<vmem>>, vector<16xf32>,
        tpu.vector_store %arg10[%swap3A_202], %sub3A_199 {strides = array<i32>} : memref<32768xf32, #tpu.memory_space<vmem>>, vector<16xf32>,
        %mul3A_204 = arith.constant 16 : i32
        %mul3A_205 = arith.muli %scan3A_50, %mul3A_204 : i32
        %add3A_206 = arith.constant 9 : i32
        %add3A_207 = arith.addi %mul3A_205, %add3A_206 : i32
        %mul3A_208 = arith.constant 16 : i32
        %mul3A_209 = arith.muli %add3A_207, %mul3A_208 : i32
        %get3A_210 = arith.index_cast %mul3A_209 : i32 to index
        %get3A_211 = tpu.vector_load %arg8[%get3A_210] {strides = array<i32>} : memref<32768xi32, #tpu.memory_space<vmem>>, vector<16xi32>,
        %gather3A_212 = tpu.vector_load_idx %arg9[%get3A_211] : memref<2048xf32, #tpu.memory_space<vmem>>[vector<16xi32>], vector<16xf32>,
        %slice3A_213 = vector.extract_strided_slice %get3A_54 {offsets = [9], sizes = [1], strides = [1]} : vector<16xf32> to vector<1xf32>
        %squeeze3A_214 = vector.extract %slice3A_213[0] : f32 from vector<1xf32>
        %sub3A_215 = vector.broadcast %squeeze3A_214 : f32 to vector<16xf32>
        %sub3A_216 = arith.subf %sub3A_215, %gather3A_212 : vector<16xf32>
        %mul3A_217 = arith.constant 16 : i32
        %mul3A_218 = arith.muli %add3A_207, %mul3A_217 : i32
        %swap3A_219 = arith.index_cast %mul3A_218 : i32 to index
        %swap3A_220 = tpu.vector_load %arg10[%swap3A_219] {strides = array<i32>} : memref<32768xf32, #tpu.memory_space<vmem>>, vector<16xf32>,
        tpu.vector_store %arg10[%swap3A_219], %sub3A_216 {strides = array<i32>} : memref<32768xf32, #tpu.memory_space<vmem>>, vector<16xf32>,
        %mul3A_221 = arith.constant 16 : i32
        %mul3A_222 = arith.muli %scan3A_50, %mul3A_221 : i32
        %add3A_223 = arith.constant 10 : i32
        %add3A_224 = arith.addi %mul3A_222, %add3A_223 : i32
        %mul3A_225 = arith.constant 16 : i32
        %mul3A_226 = arith.muli %add3A_224, %mul3A_225 : i32
        %get3A_227 = arith.index_cast %mul3A_226 : i32 to index
        %get3A_228 = tpu.vector_load %arg8[%get3A_227] {strides = array<i32>} : memref<32768xi32, #tpu.memory_space<vmem>>, vector<16xi32>,
        %gather3A_229 = tpu.vector_load_idx %arg9[%get3A_228] : memref<2048xf32, #tpu.memory_space<vmem>>[vector<16xi32>], vector<16xf32>,
        %slice3A_230 = vector.extract_strided_slice %get3A_54 {offsets = [10], sizes = [1], strides = [1]} : vector<16xf32> to vector<1xf32>
        %squeeze3A_231 = vector.extract %slice3A_230[0] : f32 from vector<1xf32>
        %sub3A_232 = vector.broadcast %squeeze3A_231 : f32 to vector<16xf32>
        %sub3A_233 = arith.subf %sub3A_232, %gather3A_229 : vector<16xf32>
        %mul3A_234 = arith.constant 16 : i32
        %mul3A_235 = arith.muli %add3A_224, %mul3A_234 : i32
        %swap3A_236 = arith.index_cast %mul3A_235 : i32 to index
        %swap3A_237 = tpu.vector_load %arg10[%swap3A_236] {strides = array<i32>} : memref<32768xf32, #tpu.memory_space<vmem>>, vector<16xf32>,
        tpu.vector_store %arg10[%swap3A_236], %sub3A_233 {strides = array<i32>} : memref<32768xf32, #tpu.memory_space<vmem>>, vector<16xf32>,
        %mul3A_238 = arith.constant 16 : i32
        %mul3A_239 = arith.muli %scan3A_50, %mul3A_238 : i32
        %add3A_240 = arith.constant 11 : i32
        %add3A_241 = arith.addi %mul3A_239, %add3A_240 : i32
        %mul3A_242 = arith.constant 16 : i32
        %mul3A_243 = arith.muli %add3A_241, %mul3A_242 : i32
        %get3A_244 = arith.index_cast %mul3A_243 : i32 to index
        %get3A_245 = tpu.vector_load %arg8[%get3A_244] {strides = array<i32>} : memref<32768xi32, #tpu.memory_space<vmem>>, vector<16xi32>,
        %gather3A_246 = tpu.vector_load_idx %arg9[%get3A_245] : memref<2048xf32, #tpu.memory_space<vmem>>[vector<16xi32>], vector<16xf32>,
        %slice3A_247 = vector.extract_strided_slice %get3A_54 {offsets = [11], sizes = [1], strides = [1]} : vector<16xf32> to vector<1xf32>
        %squeeze3A_248 = vector.extract %slice3A_247[0] : f32 from vector<1xf32>
        %sub3A_249 = vector.broadcast %squeeze3A_248 : f32 to vector<16xf32>
        %sub3A_250 = arith.subf %sub3A_249, %gather3A_246 : vector<16xf32>
        %mul3A_251 = arith.constant 16 : i32
        %mul3A_252 = arith.muli %add3A_241, %mul3A_251 : i32
        %swap3A_253 = arith.index_cast %mul3A_252 : i32 to index
        %swap3A_254 = tpu.vector_load %arg10[%swap3A_253] {strides = array<i32>} : memref<32768xf32, #tpu.memory_space<vmem>>, vector<16xf32>,
        tpu.vector_store %arg10[%swap3A_253], %sub3A_250 {strides = array<i32>} : memref<32768xf32, #tpu.memory_space<vmem>>, vector<16xf32>,
        %mul3A_255 = arith.constant 16 : i32
        %mul3A_256 = arith.muli %scan3A_50, %mul3A_255 : i32
        %add3A_257 = arith.constant 12 : i32
        %add3A_258 = arith.addi %mul3A_256, %add3A_257 : i32
        %mul3A_259 = arith.constant 16 : i32
        %mul3A_260 = arith.muli %add3A_258, %mul3A_259 : i32
        %get3A_261 = arith.index_cast %mul3A_260 : i32 to index
        %get3A_262 = tpu.vector_load %arg8[%get3A_261] {strides = array<i32>} : memref<32768xi32, #tpu.memory_space<vmem>>, vector<16xi32>,
        %gather3A_263 = tpu.vector_load_idx %arg9[%get3A_262] : memref<2048xf32, #tpu.memory_space<vmem>>[vector<16xi32>], vector<16xf32>,
        %slice3A_264 = vector.extract_strided_slice %get3A_54 {offsets = [12], sizes = [1], strides = [1]} : vector<16xf32> to vector<1xf32>
        %squeeze3A_265 = vector.extract %slice3A_264[0] : f32 from vector<1xf32>
        %sub3A_266 = vector.broadcast %squeeze3A_265 : f32 to vector<16xf32>
        %sub3A_267 = arith.subf %sub3A_266, %gather3A_263 : vector<16xf32>
        %mul3A_268 = arith.constant 16 : i32
        %mul3A_269 = arith.muli %add3A_258, %mul3A_268 : i32
        %swap3A_270 = arith.index_cast %mul3A_269 : i32 to index
        %swap3A_271 = tpu.vector_load %arg10[%swap3A_270] {strides = array<i32>} : memref<32768xf32, #tpu.memory_space<vmem>>, vector<16xf32>,
        tpu.vector_store %arg10[%swap3A_270], %sub3A_267 {strides = array<i32>} : memref<32768xf32, #tpu.memory_space<vmem>>, vector<16xf32>,
        %mul3A_272 = arith.constant 16 : i32
        %mul3A_273 = arith.muli %scan3A_50, %mul3A_272 : i32
        %add3A_274 = arith.constant 13 : i32
        %add3A_275 = arith.addi %mul3A_273, %add3A_274 : i32
        %mul3A_276 = arith.constant 16 : i32
        %mul3A_277 = arith.muli %add3A_275, %mul3A_276 : i32
        %get3A_278 = arith.index_cast %mul3A_277 : i32 to index
        %get3A_279 = tpu.vector_load %arg8[%get3A_278] {strides = array<i32>} : memref<32768xi32, #tpu.memory_space<vmem>>, vector<16xi32>,
        %gather3A_280 = tpu.vector_load_idx %arg9[%get3A_279] : memref<2048xf32, #tpu.memory_space<vmem>>[vector<16xi32>], vector<16xf32>,
        %slice3A_281 = vector.extract_strided_slice %get3A_54 {offsets = [13], sizes = [1], strides = [1]} : vector<16xf32> to vector<1xf32>
        %squeeze3A_282 = vector.extract %slice3A_281[0] : f32 from vector<1xf32>
        %sub3A_283 = vector.broadcast %squeeze3A_282 : f32 to vector<16xf32>
        %sub3A_284 = arith.subf %sub3A_283, %gather3A_280 : vector<16xf32>
        %mul3A_285 = arith.constant 16 : i32
        %mul3A_286 = arith.muli %add3A_275, %mul3A_285 : i32
        %swap3A_287 = arith.index_cast %mul3A_286 : i32 to index
        %swap3A_288 = tpu.vector_load %arg10[%swap3A_287] {strides = array<i32>} : memref<32768xf32, #tpu.memory_space<vmem>>, vector<16xf32>,
        tpu.vector_store %arg10[%swap3A_287], %sub3A_284 {strides = array<i32>} : memref<32768xf32, #tpu.memory_space<vmem>>, vector<16xf32>,
        %mul3A_289 = arith.constant 16 : i32
        %mul3A_290 = arith.muli %scan3A_50, %mul3A_289 : i32
        %add3A_291 = arith.constant 14 : i32
        %add3A_292 = arith.addi %mul3A_290, %add3A_291 : i32
        %mul3A_293 = arith.constant 16 : i32
        %mul3A_294 = arith.muli %add3A_292, %mul3A_293 : i32
        %get3A_295 = arith.index_cast %mul3A_294 : i32 to index
        %get3A_296 = tpu.vector_load %arg8[%get3A_295] {strides = array<i32>} : memref<32768xi32, #tpu.memory_space<vmem>>, vector<16xi32>,
        %gather3A_297 = tpu.vector_load_idx %arg9[%get3A_296] : memref<2048xf32, #tpu.memory_space<vmem>>[vector<16xi32>], vector<16xf32>,
        %slice3A_298 = vector.extract_strided_slice %get3A_54 {offsets = [14], sizes = [1], strides = [1]} : vector<16xf32> to vector<1xf32>
        %squeeze3A_299 = vector.extract %slice3A_298[0] : f32 from vector<1xf32>
        %sub3A_300 = vector.broadcast %squeeze3A_299 : f32 to vector<16xf32>
        %sub3A_301 = arith.subf %sub3A_300, %gather3A_297 : vector<16xf32>
        %mul3A_302 = arith.constant 16 : i32
        %mul3A_303 = arith.muli %add3A_292, %mul3A_302 : i32
        %swap3A_304 = arith.index_cast %mul3A_303 : i32 to index
        %swap3A_305 = tpu.vector_load %arg10[%swap3A_304] {strides = array<i32>} : memref<32768xf32, #tpu.memory_space<vmem>>, vector<16xf32>,
        tpu.vector_store %arg10[%swap3A_304], %sub3A_301 {strides = array<i32>} : memref<32768xf32, #tpu.memory_space<vmem>>, vector<16xf32>,
        %mul3A_306 = arith.constant 16 : i32
        %mul3A_307 = arith.muli %scan3A_50, %mul3A_306 : i32
        %add3A_308 = arith.constant 15 : i32
        %add3A_309 = arith.addi %mul3A_307, %add3A_308 : i32
        %mul3A_310 = arith.constant 16 : i32
        %mul3A_311 = arith.muli %add3A_309, %mul3A_310 : i32
        %get3A_312 = arith.index_cast %mul3A_311 : i32 to index
        %get3A_313 = tpu.vector_load %arg8[%get3A_312] {strides = array<i32>} : memref<32768xi32, #tpu.memory_space<vmem>>, vector<16xi32>,
        %gather3A_314 = tpu.vector_load_idx %arg9[%get3A_313] : memref<2048xf32, #tpu.memory_space<vmem>>[vector<16xi32>], vector<16xf32>,
        %slice3A_315 = vector.extract_strided_slice %get3A_54 {offsets = [15], sizes = [1], strides = [1]} : vector<16xf32> to vector<1xf32>
        %squeeze3A_316 = vector.extract %slice3A_315[0] : f32 from vector<1xf32>
        %sub3A_317 = vector.broadcast %squeeze3A_316 : f32 to vector<16xf32>
        %sub3A_318 = arith.subf %sub3A_317, %gather3A_314 : vector<16xf32>
        %mul3A_319 = arith.constant 16 : i32
        %mul3A_320 = arith.muli %add3A_309, %mul3A_319 : i32
        %swap3A_321 = arith.index_cast %mul3A_320 : i32 to index
        %swap3A_322 = tpu.vector_load %arg10[%swap3A_321] {strides = array<i32>} : memref<32768xf32, #tpu.memory_space<vmem>>, vector<16xf32>,
        tpu.vector_store %arg10[%swap3A_321], %sub3A_318 {strides = array<i32>} : memref<32768xf32, #tpu.memory_space<vmem>>, vector<16xf32>,
        %scan3A_323 = arith.constant 0 : i32
        scf.yield %scan3A_323 : i32
      }
      %scan3A_49 = arith.constant 128 : i32
      "tpu.region"() ({
        %run_scoped3A = tpu.sem_alloc : memref<!tpu.dma_semaphore, #tpu.memory_space<semaphore_mem>>
        %dma_start3A = arith.constant 0 : i32
        %dma_start3A_50 = tpu.memref_slice %arg7[%select_n3A, %select_n3A_30, %dma_start3A] : memref<8x3x32768xf32, #tpu.memory_space<hbm>> -> memref<1x1x32768xf32, #tpu.memory_space<hbm>>
        %dma_start3A_51 = tpu.memref_squeeze %dma_start3A_50 : memref<1x1x32768xf32, #tpu.memory_space<hbm>> -> memref<32768xf32, #tpu.memory_space<hbm>>
        %dma_start3A_52 = arith.constant 0 : i32
        %dma_start3A_53 = tpu.memref_slice %arg7[%select_n3A, %select_n3A_30, %dma_start3A_52] : memref<8x3x32768xf32, #tpu.memory_space<hbm>> -> memref<1x1x32768xf32, #tpu.memory_space<hbm>>
        %dma_start3A_54 = tpu.memref_squeeze %dma_start3A_53 : memref<1x1x32768xf32, #tpu.memory_space<hbm>> -> memref<32768xf32, #tpu.memory_space<hbm>>
        tpu.enqueue_dma source(%arg10 : memref<32768xf32, #tpu.memory_space<vmem>>) target(%dma_start3A_54 : memref<32768xf32, #tpu.memory_space<hbm>>) target_semaphore(%run_scoped3A : memref<!tpu.dma_semaphore, #tpu.memory_space<semaphore_mem>>)
        %dma_wait3A = arith.constant 0 : i32
        %dma_wait3A_55 = tpu.memref_slice %arg7[%select_n3A, %select_n3A_30, %dma_wait3A] : memref<8x3x32768xf32, #tpu.memory_space<hbm>> -> memref<1x1x32768xf32, #tpu.memory_space<hbm>>
        %dma_wait3A_56 = tpu.memref_squeeze %dma_wait3A_55 : memref<1x1x32768xf32, #tpu.memory_space<hbm>> -> memref<32768xf32, #tpu.memory_space<hbm>>
        %dma_wait3A_57 = arith.constant 0 : i32
        %dma_wait3A_58 = tpu.memref_slice %arg7[%select_n3A, %select_n3A_30, %dma_wait3A_57] : memref<8x3x32768xf32, #tpu.memory_space<hbm>> -> memref<1x1x32768xf32, #tpu.memory_space<hbm>>
        %dma_wait3A_59 = tpu.memref_squeeze %dma_wait3A_58 : memref<1x1x32768xf32, #tpu.memory_space<hbm>> -> memref<32768xf32, #tpu.memory_space<hbm>>
        tpu.wait_dma2 semaphore(%run_scoped3A : memref<!tpu.dma_semaphore, #tpu.memory_space<semaphore_mem>>) src(%arg10 : memref<32768xf32, #tpu.memory_space<vmem>>) dst(%dma_wait3A_59 : memref<32768xf32, #tpu.memory_space<hbm>>)
        tpu.yield
      }) : () -> ()
    } else {
    }
    return
  }
}

module attributes {stable_mosaic.version = 14 : i64} {
  func.func @_topk_body(%arg0: i32, %arg1: i32, %arg2: memref<1x8x2048xf32, #tpu.memory_space<vmem>>, %arg3: memref<1x256x8xf32, #tpu.memory_space<vmem>>, %arg4: memref<1x256x16xi32, #tpu.memory_space<vmem>>) attributes {dimension_semantics = [#tpu.dimension_semantics<arbitrary>, #tpu.dimension_semantics<arbitrary>], iteration_bounds = array<i64: 8, 8>, scalar_prefetch = 0 : i64, scratch_operands = 0 : i64, tpu.core_type = #tpu.core_type<tc>, window_params = [{transform_indices = @transform_0, window_bounds = array<i64: 1, 8, 2048>}, {transform_indices = @transform_1, window_bounds = array<i64: 1, 256, 8>}, {transform_indices = @transform_2, window_bounds = array<i64: 1, 256, 16>}]} {
    %get3A = arith.constant 0 : index
    %get3A_0 = arith.constant 0 : index
    %get3A_1 = arith.constant 0 : index
    %get3A_2 = vector.load %arg2[%get3A, %get3A_0, %get3A_1] : memref<1x8x2048xf32, #tpu.memory_space<vmem>>, vector<1x8x2048xf32>
    %get3A_3 = vector.shape_cast %get3A_2 : vector<1x8x2048xf32> to vector<8x2048xf32>
    %get3A_4 = arith.constant 0 : index
    %get3A_5 = arith.constant 0 : index
    %get3A_6 = arith.constant 0 : index
    %get3A_7 = vector.load %arg3[%get3A_4, %get3A_5, %get3A_6] : memref<1x256x8xf32, #tpu.memory_space<vmem>>, vector<1x256x8xf32>
    %get3A_8 = vector.shape_cast %get3A_7 : vector<1x256x8xf32> to vector<256x8xf32>
    %mul3A = arith.mulf %get3A_3, %get3A_3 : vector<8x2048xf32>
    %reduce_sum3A = arith.constant dense<0.000000e+00> : vector<2048xf32>
    %reduce_sum3A_9 = vector.multi_reduction <add>, %mul3A, %reduce_sum3A [0] : vector<8x2048xf32> to vector<2048xf32>
    %mul3A_10 = arith.mulf %get3A_8, %get3A_8 : vector<256x8xf32>
    %reduce_sum3A_11 = arith.constant dense<0.000000e+00> : vector<256xf32>
    %reduce_sum3A_12 = vector.multi_reduction <add>, %mul3A_10, %reduce_sum3A_11 [1] : vector<256x8xf32> to vector<256xf32>
    %broadcast_in_dim3A = vector.shape_cast %reduce_sum3A_12 : vector<256xf32> to vector<256x1xf32>
    %dot_general3A = arith.constant dense<0.000000e+00> : vector<256x2048xf32>
    %dot_general3A_13 = tpu.matmul %get3A_8, %get3A_3, %dot_general3A {dimension_numbers = #tpu.dot_dimension_numbers<[1], [0], [0], [1], [0, 0, 1, 1], [], []>, transpose_lhs_hint = false} : vector<256x8xf32>, vector<8x2048xf32>, vector<256x2048xf32> -> vector<256x2048xf32>
    %broadcast_in_dim3A_14 = vector.shape_cast %reduce_sum3A_9 : vector<2048xf32> to vector<1x2048xf32>
    %add3A = vector.broadcast %broadcast_in_dim3A : vector<256x1xf32> to vector<256x2048xf32>
    %add3A_15 = vector.broadcast %broadcast_in_dim3A_14 : vector<1x2048xf32> to vector<256x2048xf32>
    %add3A_16 = arith.addf %add3A, %add3A_15 : vector<256x2048xf32>
    %mul3A_17 = arith.constant 2.000000e+00 : f32
    %mul3A_18 = vector.broadcast %mul3A_17 : f32 to vector<256x2048xf32>
    %mul3A_19 = arith.mulf %mul3A_18, %dot_general3A_13 : vector<256x2048xf32>
    %sub3A = arith.subf %add3A_16, %mul3A_19 : vector<256x2048xf32>
    %iota3A = tpu.iota {dimensions = array<i32: 1>} : vector<256x2048xi32>
    %reduce_min3A = arith.constant dense<0x7F800000> : vector<256xf32>
    %reduce_min3A_20 = vector.multi_reduction <minimumf>, %sub3A, %reduce_min3A [1] : vector<256x2048xf32> to vector<256xf32>
    %broadcast_in_dim3A_21 = vector.shape_cast %reduce_min3A_20 : vector<256xf32> to vector<256x1xf32>
    %eq3A = vector.broadcast %broadcast_in_dim3A_21 : vector<256x1xf32> to vector<256x2048xf32>
    %eq3A_22 = arith.cmpf oeq, %sub3A, %eq3A : vector<256x2048xf32>
    %jit3A = arith.constant 2048 : i32
    %broadcast_in_dim3A_23 = vector.broadcast %jit3A : i32 to vector<256x2048xi32>
    %select_n3A = arith.select %eq3A_22, %iota3A, %broadcast_in_dim3A_23 : vector<256x2048xi1>, vector<256x2048xi32>
    %reduce_min3A_24 = arith.constant dense<2147483647> : vector<256xi32>
    %reduce_min3A_25 = vector.multi_reduction <minsi>, %select_n3A, %reduce_min3A_24 [1] : vector<256x2048xi32> to vector<256xi32>
    %broadcast_in_dim3A_26 = vector.shape_cast %reduce_min3A_25 : vector<256xi32> to vector<256x1xi32>
    %eq3A_27 = vector.broadcast %broadcast_in_dim3A_26 : vector<256x1xi32> to vector<256x2048xi32>
    %eq3A_28 = arith.cmpi eq, %iota3A, %eq3A_27 : vector<256x2048xi32>
    %jit3A_29 = arith.constant 0x7F800000 : f32
    %broadcast_in_dim3A_30 = vector.broadcast %jit3A_29 : f32 to vector<256x2048xf32>
    %select_n3A_31 = arith.select %eq3A_28, %broadcast_in_dim3A_30, %sub3A : vector<256x2048xi1>, vector<256x2048xf32>
    %reduce_min3A_32 = arith.constant dense<0x7F800000> : vector<256xf32>
    %reduce_min3A_33 = vector.multi_reduction <minimumf>, %select_n3A_31, %reduce_min3A_32 [1] : vector<256x2048xf32> to vector<256xf32>
    %broadcast_in_dim3A_34 = vector.shape_cast %reduce_min3A_33 : vector<256xf32> to vector<256x1xf32>
    %eq3A_35 = vector.broadcast %broadcast_in_dim3A_34 : vector<256x1xf32> to vector<256x2048xf32>
    %eq3A_36 = arith.cmpf oeq, %select_n3A_31, %eq3A_35 : vector<256x2048xf32>
    %jit3A_37 = arith.constant 2048 : i32
    %broadcast_in_dim3A_38 = vector.broadcast %jit3A_37 : i32 to vector<256x2048xi32>
    %select_n3A_39 = arith.select %eq3A_36, %iota3A, %broadcast_in_dim3A_38 : vector<256x2048xi1>, vector<256x2048xi32>
    %reduce_min3A_40 = arith.constant dense<2147483647> : vector<256xi32>
    %reduce_min3A_41 = vector.multi_reduction <minsi>, %select_n3A_39, %reduce_min3A_40 [1] : vector<256x2048xi32> to vector<256xi32>
    %broadcast_in_dim3A_42 = vector.shape_cast %reduce_min3A_41 : vector<256xi32> to vector<256x1xi32>
    %eq3A_43 = vector.broadcast %broadcast_in_dim3A_42 : vector<256x1xi32> to vector<256x2048xi32>
    %eq3A_44 = arith.cmpi eq, %iota3A, %eq3A_43 : vector<256x2048xi32>
    %jit3A_45 = arith.constant 0x7F800000 : f32
    %broadcast_in_dim3A_46 = vector.broadcast %jit3A_45 : f32 to vector<256x2048xf32>
    %select_n3A_47 = arith.select %eq3A_44, %broadcast_in_dim3A_46, %select_n3A_31 : vector<256x2048xi1>, vector<256x2048xf32>
    %reduce_min3A_48 = arith.constant dense<0x7F800000> : vector<256xf32>
    %reduce_min3A_49 = vector.multi_reduction <minimumf>, %select_n3A_47, %reduce_min3A_48 [1] : vector<256x2048xf32> to vector<256xf32>
    %broadcast_in_dim3A_50 = vector.shape_cast %reduce_min3A_49 : vector<256xf32> to vector<256x1xf32>
    %eq3A_51 = vector.broadcast %broadcast_in_dim3A_50 : vector<256x1xf32> to vector<256x2048xf32>
    %eq3A_52 = arith.cmpf oeq, %select_n3A_47, %eq3A_51 : vector<256x2048xf32>
    %jit3A_53 = arith.constant 2048 : i32
    %broadcast_in_dim3A_54 = vector.broadcast %jit3A_53 : i32 to vector<256x2048xi32>
    %select_n3A_55 = arith.select %eq3A_52, %iota3A, %broadcast_in_dim3A_54 : vector<256x2048xi1>, vector<256x2048xi32>
    %reduce_min3A_56 = arith.constant dense<2147483647> : vector<256xi32>
    %reduce_min3A_57 = vector.multi_reduction <minsi>, %select_n3A_55, %reduce_min3A_56 [1] : vector<256x2048xi32> to vector<256xi32>
    %broadcast_in_dim3A_58 = vector.shape_cast %reduce_min3A_57 : vector<256xi32> to vector<256x1xi32>
    %eq3A_59 = vector.broadcast %broadcast_in_dim3A_58 : vector<256x1xi32> to vector<256x2048xi32>
    %eq3A_60 = arith.cmpi eq, %iota3A, %eq3A_59 : vector<256x2048xi32>
    %jit3A_61 = arith.constant 0x7F800000 : f32
    %broadcast_in_dim3A_62 = vector.broadcast %jit3A_61 : f32 to vector<256x2048xf32>
    %select_n3A_63 = arith.select %eq3A_60, %broadcast_in_dim3A_62, %select_n3A_47 : vector<256x2048xi1>, vector<256x2048xf32>
    %reduce_min3A_64 = arith.constant dense<0x7F800000> : vector<256xf32>
    %reduce_min3A_65 = vector.multi_reduction <minimumf>, %select_n3A_63, %reduce_min3A_64 [1] : vector<256x2048xf32> to vector<256xf32>
    %broadcast_in_dim3A_66 = vector.shape_cast %reduce_min3A_65 : vector<256xf32> to vector<256x1xf32>
    %eq3A_67 = vector.broadcast %broadcast_in_dim3A_66 : vector<256x1xf32> to vector<256x2048xf32>
    %eq3A_68 = arith.cmpf oeq, %select_n3A_63, %eq3A_67 : vector<256x2048xf32>
    %jit3A_69 = arith.constant 2048 : i32
    %broadcast_in_dim3A_70 = vector.broadcast %jit3A_69 : i32 to vector<256x2048xi32>
    %select_n3A_71 = arith.select %eq3A_68, %iota3A, %broadcast_in_dim3A_70 : vector<256x2048xi1>, vector<256x2048xi32>
    %reduce_min3A_72 = arith.constant dense<2147483647> : vector<256xi32>
    %reduce_min3A_73 = vector.multi_reduction <minsi>, %select_n3A_71, %reduce_min3A_72 [1] : vector<256x2048xi32> to vector<256xi32>
    %broadcast_in_dim3A_74 = vector.shape_cast %reduce_min3A_73 : vector<256xi32> to vector<256x1xi32>
    %eq3A_75 = vector.broadcast %broadcast_in_dim3A_74 : vector<256x1xi32> to vector<256x2048xi32>
    %eq3A_76 = arith.cmpi eq, %iota3A, %eq3A_75 : vector<256x2048xi32>
    %jit3A_77 = arith.constant 0x7F800000 : f32
    %broadcast_in_dim3A_78 = vector.broadcast %jit3A_77 : f32 to vector<256x2048xf32>
    %select_n3A_79 = arith.select %eq3A_76, %broadcast_in_dim3A_78, %select_n3A_63 : vector<256x2048xi1>, vector<256x2048xf32>
    %reduce_min3A_80 = arith.constant dense<0x7F800000> : vector<256xf32>
    %reduce_min3A_81 = vector.multi_reduction <minimumf>, %select_n3A_79, %reduce_min3A_80 [1] : vector<256x2048xf32> to vector<256xf32>
    %broadcast_in_dim3A_82 = vector.shape_cast %reduce_min3A_81 : vector<256xf32> to vector<256x1xf32>
    %eq3A_83 = vector.broadcast %broadcast_in_dim3A_82 : vector<256x1xf32> to vector<256x2048xf32>
    %eq3A_84 = arith.cmpf oeq, %select_n3A_79, %eq3A_83 : vector<256x2048xf32>
    %jit3A_85 = arith.constant 2048 : i32
    %broadcast_in_dim3A_86 = vector.broadcast %jit3A_85 : i32 to vector<256x2048xi32>
    %select_n3A_87 = arith.select %eq3A_84, %iota3A, %broadcast_in_dim3A_86 : vector<256x2048xi1>, vector<256x2048xi32>
    %reduce_min3A_88 = arith.constant dense<2147483647> : vector<256xi32>
    %reduce_min3A_89 = vector.multi_reduction <minsi>, %select_n3A_87, %reduce_min3A_88 [1] : vector<256x2048xi32> to vector<256xi32>
    %broadcast_in_dim3A_90 = vector.shape_cast %reduce_min3A_89 : vector<256xi32> to vector<256x1xi32>
    %eq3A_91 = vector.broadcast %broadcast_in_dim3A_90 : vector<256x1xi32> to vector<256x2048xi32>
    %eq3A_92 = arith.cmpi eq, %iota3A, %eq3A_91 : vector<256x2048xi32>
    %jit3A_93 = arith.constant 0x7F800000 : f32
    %broadcast_in_dim3A_94 = vector.broadcast %jit3A_93 : f32 to vector<256x2048xf32>
    %select_n3A_95 = arith.select %eq3A_92, %broadcast_in_dim3A_94, %select_n3A_79 : vector<256x2048xi1>, vector<256x2048xf32>
    %reduce_min3A_96 = arith.constant dense<0x7F800000> : vector<256xf32>
    %reduce_min3A_97 = vector.multi_reduction <minimumf>, %select_n3A_95, %reduce_min3A_96 [1] : vector<256x2048xf32> to vector<256xf32>
    %broadcast_in_dim3A_98 = vector.shape_cast %reduce_min3A_97 : vector<256xf32> to vector<256x1xf32>
    %eq3A_99 = vector.broadcast %broadcast_in_dim3A_98 : vector<256x1xf32> to vector<256x2048xf32>
    %eq3A_100 = arith.cmpf oeq, %select_n3A_95, %eq3A_99 : vector<256x2048xf32>
    %jit3A_101 = arith.constant 2048 : i32
    %broadcast_in_dim3A_102 = vector.broadcast %jit3A_101 : i32 to vector<256x2048xi32>
    %select_n3A_103 = arith.select %eq3A_100, %iota3A, %broadcast_in_dim3A_102 : vector<256x2048xi1>, vector<256x2048xi32>
    %reduce_min3A_104 = arith.constant dense<2147483647> : vector<256xi32>
    %reduce_min3A_105 = vector.multi_reduction <minsi>, %select_n3A_103, %reduce_min3A_104 [1] : vector<256x2048xi32> to vector<256xi32>
    %broadcast_in_dim3A_106 = vector.shape_cast %reduce_min3A_105 : vector<256xi32> to vector<256x1xi32>
    %eq3A_107 = vector.broadcast %broadcast_in_dim3A_106 : vector<256x1xi32> to vector<256x2048xi32>
    %eq3A_108 = arith.cmpi eq, %iota3A, %eq3A_107 : vector<256x2048xi32>
    %jit3A_109 = arith.constant 0x7F800000 : f32
    %broadcast_in_dim3A_110 = vector.broadcast %jit3A_109 : f32 to vector<256x2048xf32>
    %select_n3A_111 = arith.select %eq3A_108, %broadcast_in_dim3A_110, %select_n3A_95 : vector<256x2048xi1>, vector<256x2048xf32>
    %reduce_min3A_112 = arith.constant dense<0x7F800000> : vector<256xf32>
    %reduce_min3A_113 = vector.multi_reduction <minimumf>, %select_n3A_111, %reduce_min3A_112 [1] : vector<256x2048xf32> to vector<256xf32>
    %broadcast_in_dim3A_114 = vector.shape_cast %reduce_min3A_113 : vector<256xf32> to vector<256x1xf32>
    %eq3A_115 = vector.broadcast %broadcast_in_dim3A_114 : vector<256x1xf32> to vector<256x2048xf32>
    %eq3A_116 = arith.cmpf oeq, %select_n3A_111, %eq3A_115 : vector<256x2048xf32>
    %jit3A_117 = arith.constant 2048 : i32
    %broadcast_in_dim3A_118 = vector.broadcast %jit3A_117 : i32 to vector<256x2048xi32>
    %select_n3A_119 = arith.select %eq3A_116, %iota3A, %broadcast_in_dim3A_118 : vector<256x2048xi1>, vector<256x2048xi32>
    %reduce_min3A_120 = arith.constant dense<2147483647> : vector<256xi32>
    %reduce_min3A_121 = vector.multi_reduction <minsi>, %select_n3A_119, %reduce_min3A_120 [1] : vector<256x2048xi32> to vector<256xi32>
    %broadcast_in_dim3A_122 = vector.shape_cast %reduce_min3A_121 : vector<256xi32> to vector<256x1xi32>
    %eq3A_123 = vector.broadcast %broadcast_in_dim3A_122 : vector<256x1xi32> to vector<256x2048xi32>
    %eq3A_124 = arith.cmpi eq, %iota3A, %eq3A_123 : vector<256x2048xi32>
    %jit3A_125 = arith.constant 0x7F800000 : f32
    %broadcast_in_dim3A_126 = vector.broadcast %jit3A_125 : f32 to vector<256x2048xf32>
    %select_n3A_127 = arith.select %eq3A_124, %broadcast_in_dim3A_126, %select_n3A_111 : vector<256x2048xi1>, vector<256x2048xf32>
    %reduce_min3A_128 = arith.constant dense<0x7F800000> : vector<256xf32>
    %reduce_min3A_129 = vector.multi_reduction <minimumf>, %select_n3A_127, %reduce_min3A_128 [1] : vector<256x2048xf32> to vector<256xf32>
    %broadcast_in_dim3A_130 = vector.shape_cast %reduce_min3A_129 : vector<256xf32> to vector<256x1xf32>
    %eq3A_131 = vector.broadcast %broadcast_in_dim3A_130 : vector<256x1xf32> to vector<256x2048xf32>
    %eq3A_132 = arith.cmpf oeq, %select_n3A_127, %eq3A_131 : vector<256x2048xf32>
    %jit3A_133 = arith.constant 2048 : i32
    %broadcast_in_dim3A_134 = vector.broadcast %jit3A_133 : i32 to vector<256x2048xi32>
    %select_n3A_135 = arith.select %eq3A_132, %iota3A, %broadcast_in_dim3A_134 : vector<256x2048xi1>, vector<256x2048xi32>
    %reduce_min3A_136 = arith.constant dense<2147483647> : vector<256xi32>
    %reduce_min3A_137 = vector.multi_reduction <minsi>, %select_n3A_135, %reduce_min3A_136 [1] : vector<256x2048xi32> to vector<256xi32>
    %broadcast_in_dim3A_138 = vector.shape_cast %reduce_min3A_137 : vector<256xi32> to vector<256x1xi32>
    %eq3A_139 = vector.broadcast %broadcast_in_dim3A_138 : vector<256x1xi32> to vector<256x2048xi32>
    %eq3A_140 = arith.cmpi eq, %iota3A, %eq3A_139 : vector<256x2048xi32>
    %jit3A_141 = arith.constant 0x7F800000 : f32
    %broadcast_in_dim3A_142 = vector.broadcast %jit3A_141 : f32 to vector<256x2048xf32>
    %select_n3A_143 = arith.select %eq3A_140, %broadcast_in_dim3A_142, %select_n3A_127 : vector<256x2048xi1>, vector<256x2048xf32>
    %reduce_min3A_144 = arith.constant dense<0x7F800000> : vector<256xf32>
    %reduce_min3A_145 = vector.multi_reduction <minimumf>, %select_n3A_143, %reduce_min3A_144 [1] : vector<256x2048xf32> to vector<256xf32>
    %broadcast_in_dim3A_146 = vector.shape_cast %reduce_min3A_145 : vector<256xf32> to vector<256x1xf32>
    %eq3A_147 = vector.broadcast %broadcast_in_dim3A_146 : vector<256x1xf32> to vector<256x2048xf32>
    %eq3A_148 = arith.cmpf oeq, %select_n3A_143, %eq3A_147 : vector<256x2048xf32>
    %jit3A_149 = arith.constant 2048 : i32
    %broadcast_in_dim3A_150 = vector.broadcast %jit3A_149 : i32 to vector<256x2048xi32>
    %select_n3A_151 = arith.select %eq3A_148, %iota3A, %broadcast_in_dim3A_150 : vector<256x2048xi1>, vector<256x2048xi32>
    %reduce_min3A_152 = arith.constant dense<2147483647> : vector<256xi32>
    %reduce_min3A_153 = vector.multi_reduction <minsi>, %select_n3A_151, %reduce_min3A_152 [1] : vector<256x2048xi32> to vector<256xi32>
    %broadcast_in_dim3A_154 = vector.shape_cast %reduce_min3A_153 : vector<256xi32> to vector<256x1xi32>
    %eq3A_155 = vector.broadcast %broadcast_in_dim3A_154 : vector<256x1xi32> to vector<256x2048xi32>
    %eq3A_156 = arith.cmpi eq, %iota3A, %eq3A_155 : vector<256x2048xi32>
    %jit3A_157 = arith.constant 0x7F800000 : f32
    %broadcast_in_dim3A_158 = vector.broadcast %jit3A_157 : f32 to vector<256x2048xf32>
    %select_n3A_159 = arith.select %eq3A_156, %broadcast_in_dim3A_158, %select_n3A_143 : vector<256x2048xi1>, vector<256x2048xf32>
    %reduce_min3A_160 = arith.constant dense<0x7F800000> : vector<256xf32>
    %reduce_min3A_161 = vector.multi_reduction <minimumf>, %select_n3A_159, %reduce_min3A_160 [1] : vector<256x2048xf32> to vector<256xf32>
    %broadcast_in_dim3A_162 = vector.shape_cast %reduce_min3A_161 : vector<256xf32> to vector<256x1xf32>
    %eq3A_163 = vector.broadcast %broadcast_in_dim3A_162 : vector<256x1xf32> to vector<256x2048xf32>
    %eq3A_164 = arith.cmpf oeq, %select_n3A_159, %eq3A_163 : vector<256x2048xf32>
    %jit3A_165 = arith.constant 2048 : i32
    %broadcast_in_dim3A_166 = vector.broadcast %jit3A_165 : i32 to vector<256x2048xi32>
    %select_n3A_167 = arith.select %eq3A_164, %iota3A, %broadcast_in_dim3A_166 : vector<256x2048xi1>, vector<256x2048xi32>
    %reduce_min3A_168 = arith.constant dense<2147483647> : vector<256xi32>
    %reduce_min3A_169 = vector.multi_reduction <minsi>, %select_n3A_167, %reduce_min3A_168 [1] : vector<256x2048xi32> to vector<256xi32>
    %broadcast_in_dim3A_170 = vector.shape_cast %reduce_min3A_169 : vector<256xi32> to vector<256x1xi32>
    %eq3A_171 = vector.broadcast %broadcast_in_dim3A_170 : vector<256x1xi32> to vector<256x2048xi32>
    %eq3A_172 = arith.cmpi eq, %iota3A, %eq3A_171 : vector<256x2048xi32>
    %jit3A_173 = arith.constant 0x7F800000 : f32
    %broadcast_in_dim3A_174 = vector.broadcast %jit3A_173 : f32 to vector<256x2048xf32>
    %select_n3A_175 = arith.select %eq3A_172, %broadcast_in_dim3A_174, %select_n3A_159 : vector<256x2048xi1>, vector<256x2048xf32>
    %reduce_min3A_176 = arith.constant dense<0x7F800000> : vector<256xf32>
    %reduce_min3A_177 = vector.multi_reduction <minimumf>, %select_n3A_175, %reduce_min3A_176 [1] : vector<256x2048xf32> to vector<256xf32>
    %broadcast_in_dim3A_178 = vector.shape_cast %reduce_min3A_177 : vector<256xf32> to vector<256x1xf32>
    %eq3A_179 = vector.broadcast %broadcast_in_dim3A_178 : vector<256x1xf32> to vector<256x2048xf32>
    %eq3A_180 = arith.cmpf oeq, %select_n3A_175, %eq3A_179 : vector<256x2048xf32>
    %jit3A_181 = arith.constant 2048 : i32
    %broadcast_in_dim3A_182 = vector.broadcast %jit3A_181 : i32 to vector<256x2048xi32>
    %select_n3A_183 = arith.select %eq3A_180, %iota3A, %broadcast_in_dim3A_182 : vector<256x2048xi1>, vector<256x2048xi32>
    %reduce_min3A_184 = arith.constant dense<2147483647> : vector<256xi32>
    %reduce_min3A_185 = vector.multi_reduction <minsi>, %select_n3A_183, %reduce_min3A_184 [1] : vector<256x2048xi32> to vector<256xi32>
    %broadcast_in_dim3A_186 = vector.shape_cast %reduce_min3A_185 : vector<256xi32> to vector<256x1xi32>
    %eq3A_187 = vector.broadcast %broadcast_in_dim3A_186 : vector<256x1xi32> to vector<256x2048xi32>
    %eq3A_188 = arith.cmpi eq, %iota3A, %eq3A_187 : vector<256x2048xi32>
    %jit3A_189 = arith.constant 0x7F800000 : f32
    %broadcast_in_dim3A_190 = vector.broadcast %jit3A_189 : f32 to vector<256x2048xf32>
    %select_n3A_191 = arith.select %eq3A_188, %broadcast_in_dim3A_190, %select_n3A_175 : vector<256x2048xi1>, vector<256x2048xf32>
    %reduce_min3A_192 = arith.constant dense<0x7F800000> : vector<256xf32>
    %reduce_min3A_193 = vector.multi_reduction <minimumf>, %select_n3A_191, %reduce_min3A_192 [1] : vector<256x2048xf32> to vector<256xf32>
    %broadcast_in_dim3A_194 = vector.shape_cast %reduce_min3A_193 : vector<256xf32> to vector<256x1xf32>
    %eq3A_195 = vector.broadcast %broadcast_in_dim3A_194 : vector<256x1xf32> to vector<256x2048xf32>
    %eq3A_196 = arith.cmpf oeq, %select_n3A_191, %eq3A_195 : vector<256x2048xf32>
    %jit3A_197 = arith.constant 2048 : i32
    %broadcast_in_dim3A_198 = vector.broadcast %jit3A_197 : i32 to vector<256x2048xi32>
    %select_n3A_199 = arith.select %eq3A_196, %iota3A, %broadcast_in_dim3A_198 : vector<256x2048xi1>, vector<256x2048xi32>
    %reduce_min3A_200 = arith.constant dense<2147483647> : vector<256xi32>
    %reduce_min3A_201 = vector.multi_reduction <minsi>, %select_n3A_199, %reduce_min3A_200 [1] : vector<256x2048xi32> to vector<256xi32>
    %broadcast_in_dim3A_202 = vector.shape_cast %reduce_min3A_201 : vector<256xi32> to vector<256x1xi32>
    %eq3A_203 = vector.broadcast %broadcast_in_dim3A_202 : vector<256x1xi32> to vector<256x2048xi32>
    %eq3A_204 = arith.cmpi eq, %iota3A, %eq3A_203 : vector<256x2048xi32>
    %jit3A_205 = arith.constant 0x7F800000 : f32
    %broadcast_in_dim3A_206 = vector.broadcast %jit3A_205 : f32 to vector<256x2048xf32>
    %select_n3A_207 = arith.select %eq3A_204, %broadcast_in_dim3A_206, %select_n3A_191 : vector<256x2048xi1>, vector<256x2048xf32>
    %reduce_min3A_208 = arith.constant dense<0x7F800000> : vector<256xf32>
    %reduce_min3A_209 = vector.multi_reduction <minimumf>, %select_n3A_207, %reduce_min3A_208 [1] : vector<256x2048xf32> to vector<256xf32>
    %broadcast_in_dim3A_210 = vector.shape_cast %reduce_min3A_209 : vector<256xf32> to vector<256x1xf32>
    %eq3A_211 = vector.broadcast %broadcast_in_dim3A_210 : vector<256x1xf32> to vector<256x2048xf32>
    %eq3A_212 = arith.cmpf oeq, %select_n3A_207, %eq3A_211 : vector<256x2048xf32>
    %jit3A_213 = arith.constant 2048 : i32
    %broadcast_in_dim3A_214 = vector.broadcast %jit3A_213 : i32 to vector<256x2048xi32>
    %select_n3A_215 = arith.select %eq3A_212, %iota3A, %broadcast_in_dim3A_214 : vector<256x2048xi1>, vector<256x2048xi32>
    %reduce_min3A_216 = arith.constant dense<2147483647> : vector<256xi32>
    %reduce_min3A_217 = vector.multi_reduction <minsi>, %select_n3A_215, %reduce_min3A_216 [1] : vector<256x2048xi32> to vector<256xi32>
    %broadcast_in_dim3A_218 = vector.shape_cast %reduce_min3A_217 : vector<256xi32> to vector<256x1xi32>
    %eq3A_219 = vector.broadcast %broadcast_in_dim3A_218 : vector<256x1xi32> to vector<256x2048xi32>
    %eq3A_220 = arith.cmpi eq, %iota3A, %eq3A_219 : vector<256x2048xi32>
    %jit3A_221 = arith.constant 0x7F800000 : f32
    %broadcast_in_dim3A_222 = vector.broadcast %jit3A_221 : f32 to vector<256x2048xf32>
    %select_n3A_223 = arith.select %eq3A_220, %broadcast_in_dim3A_222, %select_n3A_207 : vector<256x2048xi1>, vector<256x2048xf32>
    %reduce_min3A_224 = arith.constant dense<0x7F800000> : vector<256xf32>
    %reduce_min3A_225 = vector.multi_reduction <minimumf>, %select_n3A_223, %reduce_min3A_224 [1] : vector<256x2048xf32> to vector<256xf32>
    %broadcast_in_dim3A_226 = vector.shape_cast %reduce_min3A_225 : vector<256xf32> to vector<256x1xf32>
    %eq3A_227 = vector.broadcast %broadcast_in_dim3A_226 : vector<256x1xf32> to vector<256x2048xf32>
    %eq3A_228 = arith.cmpf oeq, %select_n3A_223, %eq3A_227 : vector<256x2048xf32>
    %jit3A_229 = arith.constant 2048 : i32
    %broadcast_in_dim3A_230 = vector.broadcast %jit3A_229 : i32 to vector<256x2048xi32>
    %select_n3A_231 = arith.select %eq3A_228, %iota3A, %broadcast_in_dim3A_230 : vector<256x2048xi1>, vector<256x2048xi32>
    %reduce_min3A_232 = arith.constant dense<2147483647> : vector<256xi32>
    %reduce_min3A_233 = vector.multi_reduction <minsi>, %select_n3A_231, %reduce_min3A_232 [1] : vector<256x2048xi32> to vector<256xi32>
    %broadcast_in_dim3A_234 = vector.shape_cast %reduce_min3A_233 : vector<256xi32> to vector<256x1xi32>
    %eq3A_235 = vector.broadcast %broadcast_in_dim3A_234 : vector<256x1xi32> to vector<256x2048xi32>
    %eq3A_236 = arith.cmpi eq, %iota3A, %eq3A_235 : vector<256x2048xi32>
    %jit3A_237 = arith.constant 0x7F800000 : f32
    %broadcast_in_dim3A_238 = vector.broadcast %jit3A_237 : f32 to vector<256x2048xf32>
    %select_n3A_239 = arith.select %eq3A_236, %broadcast_in_dim3A_238, %select_n3A_223 : vector<256x2048xi1>, vector<256x2048xf32>
    %reduce_min3A_240 = arith.constant dense<0x7F800000> : vector<256xf32>
    %reduce_min3A_241 = vector.multi_reduction <minimumf>, %select_n3A_239, %reduce_min3A_240 [1] : vector<256x2048xf32> to vector<256xf32>
    %broadcast_in_dim3A_242 = vector.shape_cast %reduce_min3A_241 : vector<256xf32> to vector<256x1xf32>
    %eq3A_243 = vector.broadcast %broadcast_in_dim3A_242 : vector<256x1xf32> to vector<256x2048xf32>
    %eq3A_244 = arith.cmpf oeq, %select_n3A_239, %eq3A_243 : vector<256x2048xf32>
    %jit3A_245 = arith.constant 2048 : i32
    %broadcast_in_dim3A_246 = vector.broadcast %jit3A_245 : i32 to vector<256x2048xi32>
    %select_n3A_247 = arith.select %eq3A_244, %iota3A, %broadcast_in_dim3A_246 : vector<256x2048xi1>, vector<256x2048xi32>
    %reduce_min3A_248 = arith.constant dense<2147483647> : vector<256xi32>
    %reduce_min3A_249 = vector.multi_reduction <minsi>, %select_n3A_247, %reduce_min3A_248 [1] : vector<256x2048xi32> to vector<256xi32>
    %broadcast_in_dim3A_250 = vector.shape_cast %reduce_min3A_249 : vector<256xi32> to vector<256x1xi32>
    %eq3A_251 = vector.broadcast %broadcast_in_dim3A_250 : vector<256x1xi32> to vector<256x2048xi32>
    %eq3A_252 = arith.cmpi eq, %iota3A, %eq3A_251 : vector<256x2048xi32>
    %jit3A_253 = arith.constant 0x7F800000 : f32
    %broadcast_in_dim3A_254 = vector.broadcast %jit3A_253 : f32 to vector<256x2048xf32>
    %select_n3A_255 = arith.select %eq3A_252, %broadcast_in_dim3A_254, %select_n3A_239 : vector<256x2048xi1>, vector<256x2048xf32>
    %reduce_min3A_256 = arith.constant dense<0x7F800000> : vector<256xf32>
    %reduce_min3A_257 = vector.multi_reduction <minimumf>, %select_n3A_255, %reduce_min3A_256 [1] : vector<256x2048xf32> to vector<256xf32>
    %broadcast_in_dim3A_258 = vector.shape_cast %reduce_min3A_257 : vector<256xf32> to vector<256x1xf32>
    %eq3A_259 = vector.broadcast %broadcast_in_dim3A_258 : vector<256x1xf32> to vector<256x2048xf32>
    %eq3A_260 = arith.cmpf oeq, %select_n3A_255, %eq3A_259 : vector<256x2048xf32>
    %jit3A_261 = arith.constant 2048 : i32
    %broadcast_in_dim3A_262 = vector.broadcast %jit3A_261 : i32 to vector<256x2048xi32>
    %select_n3A_263 = arith.select %eq3A_260, %iota3A, %broadcast_in_dim3A_262 : vector<256x2048xi1>, vector<256x2048xi32>
    %reduce_min3A_264 = arith.constant dense<2147483647> : vector<256xi32>
    %reduce_min3A_265 = vector.multi_reduction <minsi>, %select_n3A_263, %reduce_min3A_264 [1] : vector<256x2048xi32> to vector<256xi32>
    %broadcast_in_dim3A_266 = vector.shape_cast %reduce_min3A_265 : vector<256xi32> to vector<256x1xi32>
    %concatenate3A = tpu.concatenate %broadcast_in_dim3A_26, %broadcast_in_dim3A_42, %broadcast_in_dim3A_58, %broadcast_in_dim3A_74, %broadcast_in_dim3A_90, %broadcast_in_dim3A_106, %broadcast_in_dim3A_122, %broadcast_in_dim3A_138, %broadcast_in_dim3A_154, %broadcast_in_dim3A_170, %broadcast_in_dim3A_186, %broadcast_in_dim3A_202, %broadcast_in_dim3A_218, %broadcast_in_dim3A_234, %broadcast_in_dim3A_250, %broadcast_in_dim3A_266 in 1 : vector<256x1xi32>, vector<256x1xi32>, vector<256x1xi32>, vector<256x1xi32>, vector<256x1xi32>, vector<256x1xi32>, vector<256x1xi32>, vector<256x1xi32>, vector<256x1xi32>, vector<256x1xi32>, vector<256x1xi32>, vector<256x1xi32>, vector<256x1xi32>, vector<256x1xi32>, vector<256x1xi32>, vector<256x1xi32> -> vector<256x16xi32>
    %swap3A = arith.constant 0 : index
    %swap3A_267 = arith.constant 0 : index
    %swap3A_268 = arith.constant 0 : index
    %swap3A_269 = vector.load %arg4[%swap3A, %swap3A_267, %swap3A_268] : memref<1x256x16xi32, #tpu.memory_space<vmem>>, vector<1x256x16xi32>
    %swap3A_270 = vector.shape_cast %swap3A_269 : vector<1x256x16xi32> to vector<256x16xi32>
    %swap3A_271 = vector.shape_cast %concatenate3A : vector<256x16xi32> to vector<1x256x16xi32>
    tpu.vector_store %arg4[%swap3A, %swap3A_267, %swap3A_268], %swap3A_271 {strides = array<i32>} : memref<1x256x16xi32, #tpu.memory_space<vmem>>, vector<1x256x16xi32>,
    return
  }
  func.func @transform_0(%arg0: i32, %arg1: i32) -> (i32, i32, i32) {
    %c0_i32 = arith.constant 0 : i32
    %c0_i32_0 = arith.constant 0 : i32
    %c0_i32_1 = arith.constant 0 : i32
    return %arg0, %c0_i32, %c0_i32_0 : i32, i32, i32
  }
  func.func @transform_1(%arg0: i32, %arg1: i32) -> (i32, i32, i32) {
    %c0_i32 = arith.constant 0 : i32
    %c0_i32_0 = arith.constant 0 : i32
    return %arg0, %arg1, %c0_i32 : i32, i32, i32
  }
  func.func @transform_2(%arg0: i32, %arg1: i32) -> (i32, i32, i32) {
    %c0_i32 = arith.constant 0 : i32
    %c0_i32_0 = arith.constant 0 : i32
    return %arg0, %arg1, %c0_i32 : i32, i32, i32
  }
}

module attributes {stable_mosaic.version = 14 : i64} {
  func.func @_h_body(%arg0: i32, %arg1: memref<1x64x2048xf32, #tpu.memory_space<vmem>>, %arg2: memref<128x64xf32, #tpu.memory_space<vmem>>, %arg3: memref<128x128xf32, #tpu.memory_space<vmem>>, %arg4: memref<1x128x2048xf32, #tpu.memory_space<vmem>>) attributes {dimension_semantics = [#tpu.dimension_semantics<arbitrary>], iteration_bounds = array<i64: 8>, scalar_prefetch = 0 : i64, scratch_operands = 0 : i64, tpu.core_type = #tpu.core_type<tc>, window_params = [{transform_indices = @transform_0, window_bounds = array<i64: 1, 64, 2048>}, {pipeline_mode = #tpu.pipeline_mode<synchronous>, transform_indices = @transform_1, window_bounds = array<i64: 128, 64>}, {pipeline_mode = #tpu.pipeline_mode<synchronous>, transform_indices = @transform_2, window_bounds = array<i64: 128, 128>}, {transform_indices = @transform_3, window_bounds = array<i64: 1, 128, 2048>}]} {
    %get3A = arith.constant 0 : index
    %get3A_0 = arith.constant 0 : index
    %get3A_1 = vector.load %arg3[%get3A, %get3A_0] : memref<128x128xf32, #tpu.memory_space<vmem>>, vector<128x128xf32>
    %get3A_2 = arith.constant 0 : index
    %get3A_3 = arith.constant 0 : index
    %get3A_4 = vector.load %arg2[%get3A_2, %get3A_3] : memref<128x64xf32, #tpu.memory_space<vmem>>, vector<128x64xf32>
    %dot_general3A = arith.constant dense<0.000000e+00> : vector<128x64xf32>
    %dot_general3A_5 = tpu.matmul %get3A_1, %get3A_4, %dot_general3A {dimension_numbers = #tpu.dot_dimension_numbers<[1], [0], [0], [1], [0, 0, 1, 1], [], []>, transpose_lhs_hint = false} : vector<128x128xf32>, vector<128x64xf32>, vector<128x64xf32> -> vector<128x64xf32>
    %get3A_6 = arith.constant 0 : index
    %get3A_7 = arith.constant 0 : index
    %get3A_8 = arith.constant 0 : index
    %get3A_9 = vector.load %arg1[%get3A_6, %get3A_7, %get3A_8] : memref<1x64x2048xf32, #tpu.memory_space<vmem>>, vector<1x64x2048xf32>
    %get3A_10 = vector.shape_cast %get3A_9 : vector<1x64x2048xf32> to vector<64x2048xf32>
    %dot_general3A_11 = arith.constant dense<0.000000e+00> : vector<128x2048xf32>
    %dot_general3A_12 = tpu.matmul %dot_general3A_5, %get3A_10, %dot_general3A_11 {dimension_numbers = #tpu.dot_dimension_numbers<[1], [0], [0], [1], [0, 0, 1, 1], [], []>, transpose_lhs_hint = false} : vector<128x64xf32>, vector<64x2048xf32>, vector<128x2048xf32> -> vector<128x2048xf32>
    %swap3A = arith.constant 0 : index
    %swap3A_13 = arith.constant 0 : index
    %swap3A_14 = arith.constant 0 : index
    %swap3A_15 = vector.load %arg4[%swap3A, %swap3A_13, %swap3A_14] : memref<1x128x2048xf32, #tpu.memory_space<vmem>>, vector<1x128x2048xf32>
    %swap3A_16 = vector.shape_cast %swap3A_15 : vector<1x128x2048xf32> to vector<128x2048xf32>
    %swap3A_17 = vector.shape_cast %dot_general3A_12 : vector<128x2048xf32> to vector<1x128x2048xf32>
    tpu.vector_store %arg4[%swap3A, %swap3A_13, %swap3A_14], %swap3A_17 {strides = array<i32>} : memref<1x128x2048xf32, #tpu.memory_space<vmem>>, vector<1x128x2048xf32>,
    return
  }
  func.func @transform_0(%arg0: i32) -> (i32, i32, i32) {
    %c0_i32 = arith.constant 0 : i32
    %c0_i32_0 = arith.constant 0 : i32
    %c0_i32_1 = arith.constant 0 : i32
    return %arg0, %c0_i32, %c0_i32_0 : i32, i32, i32
  }
  func.func @transform_1(%arg0: i32) -> (i32, i32) {
    %c0_i32 = arith.constant 0 : i32
    %c0_i32_0 = arith.constant 0 : i32
    %c0_i32_1 = arith.constant 0 : i32
    return %c0_i32, %c0_i32_0 : i32, i32
  }
  func.func @transform_2(%arg0: i32) -> (i32, i32) {
    %c0_i32 = arith.constant 0 : i32
    %c0_i32_0 = arith.constant 0 : i32
    %c0_i32_1 = arith.constant 0 : i32
    return %c0_i32, %c0_i32_0 : i32, i32
  }
  func.func @transform_3(%arg0: i32) -> (i32, i32, i32) {
    %c0_i32 = arith.constant 0 : i32
    %c0_i32_0 = arith.constant 0 : i32
    %c0_i32_1 = arith.constant 0 : i32
    return %arg0, %c0_i32, %c0_i32_0 : i32, i32, i32
  }
}

</mosaic_0001>

<sc_bundles>
// kernel: kernel.5.cloned.1.call-start
scs
__scs_entry_jumppad:
0x0: {  	(pc) =	sbr.rel $0x88, $3  }
0x1: {  	(tag) =	ssettag $0x0;
	lr =	simm.s32 $0x1  }
0x2: {  	[smem:$0x3F9D] =	sst lr;
	_ =	strace $0xD0000000  }
0x3: {  	_ = 	snop  }
0x4: {  	_ = 	snop  }
0x5: {  	_ = 	snop  }
0x6: {  	_ = 	snop  }
0x7: {  	_ = 	snop  }
__scs_overlays_trampoline_lowered:
0x8: {  	[smem:$0x3FAC] =	sst s0  }
0x9: {  	[smem:$0x3FAD] =	sst s1  }
0xa: {  	[smem:$0x3FAE] =	sst s2  }
0xb: {  	[smem:$0x3FAF] =	sst s3  }
0xc: {  	[smem:$0x3FB0] =	sst s4  }
0xd: {  	[smem:$0x3FB1] =	sst s5  }
0xe: {  	[smem:$0x3FB2] =	sst s6  }
0xf: {  	[smem:$0x3FB3] =	sst s7  }
0x10: {  	[smem:$0x3FB4] =	sst s8  }
0x11: {  	[smem:$0x3FB5] =	sst s9;
	s0 =	simm.s32 @!p0 $0x0  }
0x12: {  	s1 =	sld [smem:$0x3F9B];
	s0 =	simm.s32 @p0 $0x1  }
0x13: {  	[smem:$0x3FB6] =	sst s0;
	s0 =	simm.s32 @!p1 $0x0  }
0x14: {  	s2 =	sld [smem:$0x3F9A];
	s0 =	simm.s32 @p1 $0x1  }
0x15: {  	[smem:$0x3FB7] =	sst s0;
	s0 =	simm.s32 @!p2 $0x0  }
0x16: {  	s3 =	sld [smem:$0x3FDB];
	s0 =	simm.s32 @p2 $0x1  }
0x17: {  	s4 =	simm.s32 $0x1BF5;
	[smem:$0x3FB9] =	sst s0  }
0x18: {  	s0 =	sld [smem:$0x3F9C];
	_ =	swait.ge [sflag:s4], $0x0  }
0x19: {  	s7 =	sld [smem:$0x3F9D]  }
0x1a: {  	s8 =	sadd.s32 $0xFFFFE003, lr  }
0x1b: {  	s9 =	sadd.s32 $0xFFFFFEF7, lr;
	s5 =	simm.s32 $0xFFFFFFFF;
	p2 =	slt.u32 s8, $0xFFFFF086  }
0x1c: {  	p1 =	slt.u32 s9, $0xF7A;
	s5 =	simm.s32 @!p2 $0x0  }
0x1d: {  	s5 =	simm.s32 @p1 $0x1;
	p0 =	seq.s32 s7, s2  }
0x1e: {  	s7 =	smul.u32 @!p0 $0xF7A, s2;
	p2 =	seq.s32 @!p0 s5, $0x0  }
0x1f: {  	s9 =	smul.u32 $0xF7A, s1;
	s8 =	simm.s32 @!p0 $0x1BF5;
	p2 =	por !p2, p0  }
0x20: {  	[sflag:s8] =	ssyncset.s32 @!p0 $0xFFFFF086;
	s6 =	sadd.s32 @!p0 s3, s7;
	s7 =	simm.s32 @!p0 $0x108  }
0x21: {  	s3 =	sadd.s32 s3, s9;
	s6 =	sadd.s32 @!p0 $0x88, s6;
	s7 =	simm.s32 @p2 $0x1082  }
0x22: {  	[simem:s7], [sflag:s8] =	dma.local @!p0 [hbm:s6], $0xF7A  }
0x23: {  	s9 =	sor.u32 $0xD0000000, s2;
	s6 =	simm.s32 $0x108;
	_ =	swait.ge @!p0 [sflag:s8], $0x0  }
0x24: {  	s3 =	sadd.s32 $0x88, s3;
	s6 =	simm.s32 @!p1 $0x1082;
	[sflag:s4] =	ssyncset.s32 $0xFFFFF086  }
0x25: {  	[simem:s6], [sflag:s4] =	dma.local [hbm:s3], $0xF7A  }
0x26: {  	[smem:$0x3F9D] =	sst s1;
	(tag) =	ssettag s2;
	_ =	strace s9  }
0x27: {  	s1 =	sld [smem:$0x3FAD]  }
0x28: {  	s2 =	sld [smem:$0x3FAE]  }
0x29: {  	s4 =	sld [smem:$0x3FB0]  }
0x2a: {  	p0 =	seq.s32 s5, $0x0;
	s5 =	sld [smem:$0x3FB1]  }
0x2b: {  	s6 =	sld [smem:$0x3FB2]  }
0x2c: {  	s7 =	sld [smem:$0x3FB3]  }
0x2d: {  	s3 =	simm.s32 $0x108;
	s8 =	sld [smem:$0x3FB4]  }
0x2e: {  	s3 =	simm.s32 @!p0 $0x1082;
	s9 =	sld [smem:$0x3FB5]  }
0x2f: {  	lr =	sadd.s32 s0, s3;
	s0 =	sld [smem:$0x3FAC]  }
0x30: {  	s3 =	sld [smem:$0x3FAF]  }
0x31: {  	[smem:$0x3FB8] =	sst s10  }
0x32: {  	s10 =	sld [smem:$0x3FB6];
	_ =	sdelay $0x3  }
0x33: {  	p0 =	seq.s32 s10, $0x1;
	s10 =	sld [smem:$0x3FB8];
	_ =	sdelay $0x3  }
0x34: {  	[smem:$0x3FB8] =	sst s10  }
0x35: {  	s10 =	sld [smem:$0x3FB7];
	_ =	sdelay $0x3  }
0x36: {  	p1 =	seq.s32 s10, $0x1;
	s10 =	sld [smem:$0x3FB8];
	_ =	sdelay $0x3  }
0x37: {  	[smem:$0x3FB8] =	sst s10  }
0x38: {  	s10 =	sld [smem:$0x3FB9]  }
0x39: {  	_ = 	snop;
	(pc) =	sbr.ind lr, $3  }
0x3a: {  	_ = 	snop  }
0x3b: {  	_ = 	snop  }
0x3c: {  	p2 =	seq.s32 s10, $0x1;
	s10 =	sld [smem:$0x3FB8]  }
0x3d: {  	_ =	shalt  }
0x3e: {  	_ =	shalt  }
0x3f: {  	_ =	shalt  }
0x40: {  	_ =	shalt  }
0x41: {  	_ =	shalt  }
0x42: {  	_ =	shalt  }
0x43: {  	_ =	shalt  }
0x44: {  	_ =	shalt  }
0x45: {  	_ =	shalt  }
0x46: {  	_ =	shalt  }
0x47: {  	_ =	shalt  }
0x48: {  	_ =	shalt  }
0x49: {  	_ =	shalt  }
0x4a: {  	_ =	shalt  }
0x4b: {  	_ =	shalt  }
0x4c: {  	_ =	shalt  }
0x4d: {  	_ =	shalt  }
0x4e: {  	_ =	shalt  }
0x4f: {  	_ =	shalt  }
0x50: {  	_ =	shalt  }
0x51: {  	_ =	shalt  }
0x52: {  	_ =	shalt  }
0x53: {  	_ =	shalt  }
0x54: {  	_ =	shalt  }
0x55: {  	_ =	shalt  }
0x56: {  	_ =	shalt  }
0x57: {  	_ =	shalt  }
0x58: {  	_ =	shalt  }
0x59: {  	_ =	shalt  }
0x5a: {  	_ =	shalt  }
0x5b: {  	_ =	shalt  }
0x5c: {  	_ =	shalt  }
0x5d: {  	_ =	shalt  }
0x5e: {  	_ =	shalt  }
0x5f: {  	_ =	shalt  }
0x60: {  	_ =	shalt  }
0x61: {  	_ =	shalt  }
0x62: {  	_ =	shalt  }
0x63: {  	_ =	shalt  }
0x64: {  	_ =	shalt  }
0x65: {  	_ =	shalt  }
0x66: {  	_ =	shalt  }
0x67: {  	_ =	shalt  }
0x68: {  	_ =	shalt  }
0x69: {  	_ =	shalt  }
0x6a: {  	_ =	shalt  }
0x6b: {  	_ =	shalt  }
0x6c: {  	_ =	shalt  }
0x6d: {  	_ =	shalt  }
0x6e: {  	_ =	shalt  }
0x6f: {  	_ =	shalt  }
0x70: {  	_ =	shalt  }
0x71: {  	_ =	shalt  }
0x72: {  	_ =	shalt  }
0x73: {  	_ =	shalt  }
0x74: {  	_ =	shalt  }
0x75: {  	_ =	shalt  }
0x76: {  	_ =	shalt  }
0x77: {  	_ =	shalt  }
0x78: {  	_ =	shalt  }
0x79: {  	_ =	shalt  }
0x7a: {  	_ =	shalt  }
0x7b: {  	_ =	shalt  }
0x7c: {  	_ =	shalt  }
0x7d: {  	_ =	shalt  }
0x7e: {  	_ =	shalt  }
0x7f: {  	_ =	shalt  }
0x80: {  	_ =	shalt  }
0x81: {  	_ =	shalt  }
0x82: {  	_ =	shalt  }
0x83: {  	_ =	shalt  }
0x84: {  	_ =	shalt  }
0x85: {  	_ =	shalt  }
0x86: {  	_ =	shalt  }
0x87: {  	_ =	shalt  }
.Lfunc_end0:
.L_simem_size_0:
called_computation.1_lowered:
.L_overlay_start_0:
0x88: {  	s2 =	sld [smem:$0x3FD9]  }
0x89: {  	s3 =	sld [smem:$0x3FFE];
	_ =	sdelay $0x1  }
0x8a: {  	s1 =	srdreg.scid  }
0x8b: {  	s0 =	sand.u32 $0x1, s1  }
0x8c: {  	s14 =	sshll.u32 s0, $0xA;
	s2 =	sadd.s32 s3, s2  }
0x8d: {  	s2 =	sadd.s32 s2, s14  }
0x8e: {  	[smem:$0x3FC4] =	sst s2  }
0x8f: {  	_ = 	snop  }
0x90: {  	s2 =	sld [smem:$0x3FD0];
	_ =	sdelay $0x2  }
0x91: {  	s15 =	simm.s32 $0xA;
	s4 =	simm.s32 $0x10  }
0x92: {  	[smem:s4], [sflag:s15] =	dma.local [hbm:s2], $0x1  }
0x93: {  	_ =	swait.eq [sflag:s15], $0x1  }
0x94: {  	s16 =	sld [smem:$0x10];
	[sflag:s15] =	ssyncset.done $0x0  }
0x95: {  	s17 =	sld [smem:$0x11];
	[sflag:s15] =	ssyncadd.s32 $0xFFFFFFFF  }
0x96: {  	s18 =	sld [smem:$0x12];
	(tm) =	ssettm $0x1  }
0x97: {  	s5 =	sld [smem:$0x3FFB];
	_ =	sdelay $0x3  }
0x98: {  	_ =	strace s5  }
0x99: {  	s5 =	sld [smem:$0x3FFC];
	_ =	sdelay $0x3  }
0x9a: {  	_ =	strace s5  }
0x9b: {  	s5 =	sld [smem:$0x3FFD];
	_ =	sdelay $0x3  }
0x9c: {  	_ =	strace s5  }
0x9d: {  	_ =	strace $0x8FFFFFFF  }
0x9e: {  	s19 =	sld [smem:$0x3FDB];
	_ =	sdelay $0x1  }
0x9f: {  	s6 =	simm.s32 $_scs_section_size  }
0xa0: {  	s7 =	simm.s32 $_size__tile_overlayer_lowered;
	s8 =	simm.s32 $_tile_overlayer_lowered  }
0xa1: {  	s22 =	simm.s32 $0x1BFF;
	s21 =	sshll.u32 s8, $0x1;
	s5 =	sadd.s32 s6, s19  }
0xa2: {  	s9 =	simm.s32 $0x0;
	s20 =	sshll.u32 s7, $0x1;
	s7 =	sadd.s32 s21, s5  }
0xa3: {  	[timem:s9], [sflag:s22] =	dma.local [hbm:s7], s20  }
0xa4: {  	_ =	swait.ge [sflag:s22], s20  }
0xa5: {  	s6 =	ssub.s32 $0x0, s20;
	[sflag:s22] =	ssyncset.done $0x0  }
0xa6: {  	[sflag:s22] =	ssyncadd.s32 s6;
	_ =	sdelay $0x1  }
0xa7: {  	s23 =	simm.s32 $0x1B8B  }
0xa8: {  	_ =	swait.ge [sflag:s23], $0x1  }
0xa9: {  	[sflag:s23] =	ssyncset.done $0x0  }
0xaa: {  	s25 =	simm.s32 $0x1B8E;
	s24 =	sld [smem:$0x3FFE];
	[sflag:s23] =	ssyncadd.s32 $0xFFFFFFFF  }
0xab: {  	s26 =	simm.s32 $execute0_lowered;
	[smem:$0x3FD2] =	sst s25  }
0xac: {  	s7 =	sshll.u32 s26, $0x1;
	_ =	strace $0x80000046;
	[dreg:$0x1] =	wrdreg $0xFFFFFFFF  }
0xad: {  	s28 =	simm.s32 $_size_execute0_lowered;
	s5 =	sadd.s32 s5, s7;
	[dreg:$0x0] =	wrdreg $0x0  }
0xae: {  	s7 =	sshll.u32 s28, $0x1;
	[dreg:$0x2] =	wrdreg s5  }
0xaf: {  	[dreg:$0x3] =	wrdreg s7  }
0xb0: {  	[dreg:$0x4] =	wrdreg $0xC0  }
0xb1: {  	_ =	task [dreg:s9], $0x5FFFF  }
0xb2: {  	[dreg:$0x1] =	wrdreg $0xFFFFFFFF  }
0xb3: {  	[dreg:$0x0] =	wrdreg $0x60  }
0xb4: {  	[dreg:$0x2] =	wrdreg s24  }
0xb5: {  	[dreg:$0x3] =	wrdreg s18  }
0xb6: {  	[dreg:$0x4] =	wrdreg s16  }
0xb7: {  	[dreg:$0x5] =	wrdreg s17  }
0xb8: {  	[dreg:$0x6] =	wrdreg $0x9  }
0xb9: {  	_ =	task.clear_ibuf [dreg:s9], $0x7FFFF;
	_ =	strace $0x90000046  }
0xba: {  	s29 =	simm.s32 $0x9;
	_ =	strace $0x80000048  }
0xbb: {  	_ =	swait.ge [sflag:s29], $0x1  }
0xbc: {  	[sflag:s29] =	ssyncadd.s32 $0xFFFFFFFF  }
0xbd: {  	_ =	strace $0x90000048  }
0xbe: {  	_ =	sfence  }
0xbf: {  	s30 =	sld [smem:$0x0];
	_ =	sdelay $0x2  }
0xc0: {  	s31 =	sshll.u32 s1, $0xD;
	s1 =	sshrl.u32 s1, $0x2  }
0xc1: {  	s3 =	sand.u32 $0x4000, s31;
	s1 =	sadd.s32 s1, s30  }
0xc2: {  	s0 =	sor.u32 s3, s0;
	s1 =	sshll.u32 s1, $0x11  }
0xc3: {  	s0 =	sor.u32 s1, s0  }
0xc4: {  	s0 =	sadd.s32 $0x8F2B, s0  }
0xc5: {  	[sflag:s0] =	ssyncadd.remote.s32 $0x1  }
0xc6: {  	_ =	sfence.sel $0xFFFF  }
0xc7: {  	[dreg:$0x0] =	wrdreg $0xFFFFFFFF;
	(pc) =	sbr.abs _section_cstart, $3  }
0xc8: {  	[dreg:$0x1] =	wrdreg $0xFFFFFFFF  }
0xc9: {  	_ =	task.clear_ibuf [dreg:s9], $0x2FFFF;
	_ =	strace $0x9FFFFFFF  }
0xca: {  	(tm) =	ssettm $0x7FFFFFFF  }
0xcb: {  	_ =	shalt  }
tec
execute0_lowered:
.L_overlay_start_1:
0x0: {  	(tag) =	ssettag $0x1  }
0x1: {  	s6 =	rddreg [dreg:$0x0]  }
0x2: {  	s7 =	rddreg [dreg:$0x1]  }
0x3: {  	s2 =	rddreg [dreg:$0x2]  }
0x4: {  	s0 =	stileid.u32;
	s3 =	rddreg [dreg:$0x3]  }
0x5: {  	s4 =	srdreg.scid;
	s1 =	rddreg [dreg:$0x4]  }
0x6: {  	s15 =	simm.s32 $0x1;
	s16 =	simm.s32 $0x8000;
	s17 =	simm.s32 $0x8800  }
0x7: {  	s18 =	simm.s32 $0x10800;
	s20 =	simm.s32 $0x0;
	s5 =	sshll.u32 s0, $0x1  }
0x8: {  	s8 =	sand.u32 $0x1, s4;
	s4 =	simm.s32 $0x0;
	s9 =	sshrl.u32 s0, $0x1  }
0x9: {  	s5 =	sand.u32 $0x2, s5;
	[smem:$0x7FF] =	sst s4;
	s30 =	sshll.u32 s9, $0xD  }
0xa: {  	s12 =	sshll.u32 s9, $0x11;
	s13 =	sshll.u32 s9, $0x4;
	s19 =	sor.u32 s8, s5  }
0xb: {  	_ =	strace $0x80000047;
	s5 =	sadd.s32 $0x3600, s6;
	s8 =	ssub.s32 $0x2, s8  }
0xc: {  	s10 =	sshll.u32 s19, $0x7;
	s31 =	sshrl.u32 s8, $0x1;
	p0 =	seq.s32 s19, $0x3  }
0xd: {  	s11 =	sor.u32 s30, s10;
	s10 =	sor.u32 s12, s10;
	s12 =	ssub.s32 s8, s31  }
.Ltmp0:
0xe: {  	s8 =	sshll.u32 s9, $0x12;
	s9 =	sshll.u32 s9, $0x16;
	(pc) =	sbr.rel .LBB2_1-.Ltmp0, $4  }
0xf: {  	s11 =	sshrl.u32 s11, $0x3;
	s10 =	sshrl.u32 s10, $0x3;
	s12 =	smax.u32 s12, $0x1  }
0x10: {  	v0 =	vlaneseq.u32;
	s11 =	sadd.s32 s11, s6;
	s14 =	sadd.s32 s10, s6;
	s6 =	sadd.s32 s7, s13  }
0x11: {  	v0 =	vmul.u32 $0x10, v0;
	s7 =	sshll.u32 s19, $0x5;
	s13 =	simm.s32 $0x80;
	s19 =	simm.s32 $0x200  }
0x12: {  	s10 =	sadd.s32 $0x1600, s11;
	s11 =	sadd.s32 $0x43600, s14;
	s14 =	simm.s32 $0x400  }
.LBB2_11:
0x13: {  	s20 =	sadd.s32 $0x1, s20  }
0x14: {  	p1 =	sne.s32 s20, s12  }
.Ltmp1:
0x15: {  	_ = 	snop;
	(pc) =	sbr.rel @!p1 .LBB2_12-.Ltmp1, $1  }
0x16: {  	_ =	sdelay $0x3  }
.LBB2_1:
0x17: {  	[tilespmem:s4], [sflag:$0x1] =	stream.strided.gather [hbm4b:s6+s13], $0x8000, s14, s13, $0x38;
	[tilespmem:$0x11000] =	vst v63  }
0x18: {  	_ =	swait.ge [sflag:s15], $0x8000  }
0x19: {  	[sflag:s15] =	ssyncset.done $0x0  }
0x1a: {  	s21 =	simm.s32 $0x0;
	[sflag:s15] =	ssyncadd.s32 $0xFFFF8000  }
.LBB2_2:
0x1b: {  	s22 =	sadd.s32 s7, s21  }
0x1c: {  	s24 =	sshrl.u32 s22, $0x3  }
0x1d: {  	s29 =	sshll.u32 s21, $0x7;
	s25 =	sshll.u32 s24, $0xE  }
0x1e: {  	s23 =	sand.u32 $0x380, s29;
	s30 =	sadd.s32 s8, s25  }
0x1f: {  	s22 =	sor.u32 s23, s30  }
0x20: {  	s22 =	sshrl.u32 s22, $0x3  }
0x21: {  	s31 =	sadd.s32 s5, s22  }
0x22: {  	[tilespmem:s16], [sflag:$0x1] =	stream.strided.gather [hbm4b:s31+s13], $0x800, s14, s13, $0x38;
	[tilespmem:$0x11000] =	vst v63  }
0x23: {  	_ =	swait.ge [sflag:s15], $0x800  }
0x24: {  	[sflag:s15] =	ssyncset.done $0x0  }
0x25: {  	s26 =	simm.s32 $0x0;
	[sflag:s15] =	ssyncadd.s32 $0xFFFFF800  }
0x26: {  	v1 =	vld [tilespmem:s26+$0x0];
	_ =	sdelay $0x7  }
0x27: {  	s28 =	simm.s32 $0x80;
	s25 =	simm.s32 $0x10;
	v1 =	vld.idx.msk [tilespmem:v1+s16+$0x0], $0xffff  }
.LBB2_3:
0x28: {  	p1 =	sne.s32 s28, $0x1FFC0;
	v2 =	vld [tilespmem:s25+$0x0];
	_ =	sdelay $0x3  }
.Ltmp2:
0x29: {  	(pc) =	sbr.rel @p1 .LBB2_3-.Ltmp2, $2  }
0x2a: {  	[tilespmem:s26+$0x8800] =	vst v1;
	s26 =	smov.u32 s25;
	_ =	sdelay $0x2  }
0x2b: {  	s25 =	sshra.s32 s28, $0x2;
	s28 =	sadd.s32 $0x40, s28;
	v1 =	vld.idx.msk [tilespmem:v2+s16+$0x0], $0xffff  }
0x2c: {  	v2 =	vld [tilespmem:s25+$0x0];
	_ =	sdelay $0x6  }
0x2d: {  	[tilespmem:s26+$0x8800] =	vst v1  }
0x2e: {  	s30 =	simm.s32 $0x1;
	v1 =	vld.idx.msk [tilespmem:v2+s16+$0x0], $0xffff  }
0x2f: {  	s28 =	simm.s32 $0x0;
	v2 =	vor.u32 s30, v0  }
0x30: {  	s31 =	simm.s32 $0x2;
	v3 =	vor.u32 s28, v0  }
0x31: {  	v4 =	vor.u32 s31, v0;
	s30 =	simm.s32 $0x3  }
0x32: {  	s31 =	simm.s32 $0x4;
	v5 =	vor.u32 s30, v0  }
0x33: {  	s30 =	simm.s32 $0x5;
	[tilespmem:s25+$0x8800] =	vst v1;
	v1 =	vor.u32 s31, v0  }
0x34: {  	v6 =	vor.u32 s30, v0;
	s31 =	simm.s32 $0x6;
	v2 =	vld.idx.msk [tilespmem:v2+s17+$0x0], $0xffff  }
0x35: {  	s26 =	simm.s32 $0x7;
	v3 =	vld.idx.msk [tilespmem:v3+s17+$0x0], $0xffff;
	v7 =	vor.u32 s31, v0  }
0x36: {  	v8 =	vor.u32 s26, v0;
	s30 =	simm.s32 $0x8;
	v4 =	vld.idx.msk [tilespmem:v4+s17+$0x0], $0xffff  }
0x37: {  	v9 =	vor.u32 s30, v0;
	v5 =	vld.idx.msk [tilespmem:v5+s17+$0x0], $0xffff;
	s31 =	simm.s32 $0x9  }
0x38: {  	s26 =	simm.s32 $0xA;
	v10 =	vor.u32 s31, v0;
	v1 =	vld.idx.msk [tilespmem:v1+s17+$0x0], $0xffff  }
0x39: {  	v11 =	vor.u32 s26, v0;
	s30 =	simm.s32 $0xB;
	v6 =	vld.idx.msk [tilespmem:v6+s17+$0x0], $0xffff  }
0x3a: {  	v12 =	vor.u32 s30, v0;
	s31 =	simm.s32 $0xC;
	v7 =	vld.idx.msk [tilespmem:v7+s17+$0x0], $0xffff;
	v2 =	vmax.f32 v3, v2  }
0x3b: {  	s26 =	simm.s32 $0xD;
	v52 =	vor.u32 s31, v0;
	v3 =	vld.idx.msk [tilespmem:v8+s17+$0x0], $0xffff;
	v2 =	vmax.f32 v2, v4  }
0x3c: {  	v53 =	vor.u32 s26, v0;
	s30 =	simm.s32 $0xE;
	v4 =	vld.idx.msk [tilespmem:v9+s17+$0x0], $0xffff;
	v2 =	vmax.f32 v2, v5  }
0x3d: {  	v54 =	vor.u32 s30, v0;
	s31 =	simm.s32 $0xF;
	v5 =	vld.idx.msk [tilespmem:v10+s17+$0x0], $0xffff;
	v1 =	vmax.f32 v2, v1  }
0x3e: {  	v55 =	vor.u32 s31, v0;
	v2 =	vld.idx.msk [tilespmem:v11+s17+$0x0], $0xffff;
	v1 =	vmax.f32 v1, v6  }
0x3f: {  	v6 =	vld.idx.msk [tilespmem:v12+s17+$0x0], $0xffff;
	v1 =	vmax.f32 v1, v7  }
0x40: {  	v7 =	vld.idx.msk [tilespmem:v52+s17+$0x0], $0xffff;
	v1 =	vmax.f32 v1, v3  }
0x41: {  	v3 =	vld.idx.msk [tilespmem:v53+s17+$0x0], $0xffff;
	v1 =	vmax.f32 v1, v4  }
0x42: {  	v4 =	vld.idx.msk [tilespmem:v54+s17+$0x0], $0xffff;
	v1 =	vmax.f32 v1, v5  }
0x43: {  	v5 =	vld.idx.msk [tilespmem:v55+s17+$0x0], $0xffff;
	v1 =	vmax.f32 v1, v2  }
0x44: {  	s30 =	simm.s32 $0x101;
	v1 =	vmax.f32 v1, v6  }
0x45: {  	s31 =	simm.s32 $0x100;
	v2 =	vor.u32 s30, v0;
	v1 =	vmax.f32 v1, v7  }
0x46: {  	s26 =	simm.s32 $0x102;
	v6 =	vor.u32 s31, v0;
	v1 =	vmax.f32 v1, v3  }
0x47: {  	s30 =	simm.s32 $0x103;
	v3 =	vor.u32 s26, v0;
	v1 =	vmax.f32 v1, v4  }
0x48: {  	s25 =	simm.s32 $0x10800;
	s31 =	simm.s32 $0x104;
	v4 =	vor.u32 s30, v0;
	v1 =	vmax.f32 v1, v5  }
0x49: {  	s30 =	simm.s32 $0x105;
	v5 =	vor.u32 s31, v0;
	[tilespmem:s25+$0x0] =	vst v1  }
0x4a: {  	s31 =	simm.s32 $0x106;
	v1 =	vld.idx.msk [tilespmem:v2+s17+$0x0], $0xffff;
	v2 =	vor.u32 s30, v0  }
0x4b: {  	v7 =	vor.u32 s31, v0;
	v6 =	vld.idx.msk [tilespmem:v6+s17+$0x0], $0xffff;
	s30 =	simm.s32 $0x107  }
0x4c: {  	s31 =	simm.s32 $0x108;
	v3 =	vld.idx.msk [tilespmem:v3+s17+$0x0], $0xffff;
	v56 =	vor.u32 s30, v0  }
0x4d: {  	v57 =	vor.u32 s31, v0;
	s30 =	simm.s32 $0x109;
	v4 =	vld.idx.msk [tilespmem:v4+s17+$0x0], $0xffff  }
0x4e: {  	v58 =	vor.u32 s30, v0;
	v5 =	vld.idx.msk [tilespmem:v5+s17+$0x0], $0xffff  }
0x4f: {  	s31 =	simm.s32 $0x10A;
	v2 =	vld.idx.msk [tilespmem:v2+s17+$0x0], $0xffff  }
0x50: {  	v59 =	vor.u32 s31, v0;
	s30 =	simm.s32 $0x10B;
	v7 =	vld.idx.msk [tilespmem:v7+s17+$0x0], $0xffff;
	v1 =	vmax.f32 v6, v1  }
0x51: {  	s31 =	simm.s32 $0x10C;
	v60 =	vor.u32 s30, v0;
	v6 =	vld.idx.msk [tilespmem:v56+s17+$0x0], $0xffff;
	v1 =	vmax.f32 v1, v3  }
0x52: {  	v61 =	vor.u32 s31, v0;
	s30 =	simm.s32 $0x10D;
	v3 =	vld.idx.msk [tilespmem:v57+s17+$0x0], $0xffff;
	v1 =	vmax.f32 v1, v4  }
0x53: {  	s31 =	simm.s32 $0x10E;
	v4 =	vld.idx.msk [tilespmem:v58+s17+$0x0], $0xffff;
	v1 =	vmax.f32 v1, v5;
	v5 =	vor.u32 s30, v0  }
0x54: {  	s28 =	simm.s32 $0x10F;
	v1 =	vmax.f32 v1, v2;
	v2 =	vor.u32 s31, v0  }
0x55: {  	v62 =	vld.idx.msk [tilespmem:v59+s17+$0x0], $0xffff;
	v1 =	vmax.f32 v1, v7;
	v7 =	vor.u32 s28, v0  }
0x56: {  	v63 =	vld.idx.msk [tilespmem:v60+s17+$0x0], $0xffff;
	v1 =	vmax.f32 v1, v6  }
0x57: {  	v8 =	vld.idx.msk [tilespmem:v61+s17+$0x0], $0xffff;
	v1 =	vmax.f32 v1, v3  }
0x58: {  	v1 =	vmax.f32 v1, v4;
	v4 =	vld.idx.msk [tilespmem:v5+s17+$0x0], $0xffff  }
0x59: {  	v2 =	vld.idx.msk [tilespmem:v2+s17+$0x0], $0xffff  }
0x5a: {  	v1 =	vmax.f32 v1, v62;
	v3 =	vld.idx.msk [tilespmem:v7+s17+$0x0], $0xffff  }
0x5b: {  	s28 =	simm.s32 $0x201;
	v5 =	vmax.f32 v1, v63  }
0x5c: {  	s29 =	simm.s32 $0x200;
	s26 =	simm.s32 $0x20F;
	v1 =	vor.u32 s28, v0;
	s28 =	simm.s32 $0x30F;
	v5 =	vmax.f32 v5, v8  }
.LBB2_5:
0x5d: {  	p1 =	sne.s32 s28, $0x7F0F;
	v6 =	vor.u32 s29, v0;
	s29 =	sadd.s32 $0xFFFFFFF3, s26;
	v4 =	vmax.f32 v5, v4  }
0x5e: {  	v5 =	vor.u32 s29, v0;
	s29 =	sadd.s32 $0xFFFFFFF4, s26;
	v2 =	vmax.f32 v4, v2  }
0x5f: {  	s25 =	sadd.s32 $0x10, s25;
	v4 =	vor.u32 s29, v0;
	s29 =	sadd.s32 $0xFFFFFFF5, s26;
	v2 =	vmax.f32 v2, v3  }
0x60: {  	v3 =	vor.u32 s29, v0;
	s29 =	sadd.s32 $0xFFFFFFF6, s26;
	[tilespmem:s25+$0x0] =	vst v2  }
0x61: {  	v1 =	vld.idx.msk [tilespmem:v1+s17+$0x0], $0xffff;
	v2 =	vor.u32 s29, v0;
	s29 =	sadd.s32 $0xFFFFFFF7, s26  }
0x62: {  	v6 =	vld.idx.msk [tilespmem:v6+s17+$0x0], $0xffff;
	v7 =	vor.u32 s29, v0;
	s29 =	sadd.s32 $0xFFFFFFF8, s26  }
0x63: {  	v5 =	vld.idx.msk [tilespmem:v5+s17+$0x0], $0xffff;
	v8 =	vor.u32 s29, v0;
	s29 =	sadd.s32 $0xFFFFFFF9, s26  }
0x64: {  	v4 =	vld.idx.msk [tilespmem:v4+s17+$0x0], $0xffff;
	v9 =	vor.u32 s29, v0;
	s29 =	sadd.s32 $0xFFFFFFFA, s26  }
0x65: {  	v3 =	vld.idx.msk [tilespmem:v3+s17+$0x0], $0xffff;
	v10 =	vor.u32 s29, v0;
	s29 =	sadd.s32 $0xFFFFFFFB, s26  }
0x66: {  	v2 =	vld.idx.msk [tilespmem:v2+s17+$0x0], $0xffff;
	v11 =	vor.u32 s29, v0;
	s29 =	sadd.s32 $0xFFFFFFFC, s26  }
0x67: {  	v7 =	vld.idx.msk [tilespmem:v7+s17+$0x0], $0xffff;
	v12 =	vor.u32 s29, v0;
	s29 =	sadd.s32 $0xFFFFFFFD, s26  }
0x68: {  	v1 =	vmax.f32 v6, v1;
	v6 =	vld.idx.msk [tilespmem:v8+s17+$0x0], $0xffff;
	v8 =	vor.u32 s29, v0;
	s29 =	sadd.s32 $0xFFFFFFFE, s26  }
0x69: {  	v1 =	vmax.f32 v1, v5;
	v5 =	vld.idx.msk [tilespmem:v9+s17+$0x0], $0xffff;
	v9 =	vor.u32 s29, v0;
	s29 =	sadd.s32 $0xFFFFFFFF, s26  }
0x6a: {  	v1 =	vmax.f32 v1, v4;
	v10 =	vld.idx.msk [tilespmem:v10+s17+$0x0], $0xffff;
	v13 =	vor.u32 s29, v0  }
0x6b: {  	v1 =	vmax.f32 v1, v3;
	v3 =	vor.u32 s26, v0;
	s26 =	smov.u32 s28;
	v11 =	vld.idx.msk [tilespmem:v11+s17+$0x0], $0xffff  }
0x6c: {  	v1 =	vmax.f32 v1, v2;
	v12 =	vld.idx.msk [tilespmem:v12+s17+$0x0], $0xffff  }
0x6d: {  	v1 =	vmax.f32 v1, v7;
	v7 =	vld.idx.msk [tilespmem:v8+s17+$0x0], $0xffff  }
0x6e: {  	v1 =	vmax.f32 v1, v6;
	v4 =	vld.idx.msk [tilespmem:v9+s17+$0x0], $0xffff  }
.Ltmp3:
0x6f: {  	v1 =	vmax.f32 v1, v5;
	v2 =	vld.idx.msk [tilespmem:v13+s17+$0x0], $0xffff;
	(pc) =	sbr.rel @p1 .LBB2_5-.Ltmp3, $4  }
0x70: {  	v1 =	vmax.f32 v1, v10;
	v3 =	vld.idx.msk [tilespmem:v3+s17+$0x0], $0xffff  }
0x71: {  	v1 =	vmax.f32 v1, v11  }
0x72: {  	s30 =	sadd.s32 $0xFFFFFFF2, s28;
	v5 =	vmax.f32 v1, v12  }
0x73: {  	s28 =	sadd.s32 $0x100, s28;
	s29 =	sadd.s32 $0xFFFFFFF1, s26;
	v1 =	vor.u32 s30, v0;
	v5 =	vmax.f32 v5, v7  }
0x74: {  	v6 =	vor.u32 s29, v0;
	s28 =	sadd.s32 $0xFFFFFFF3, s26;
	v4 =	vmax.f32 v5, v4  }
0x75: {  	s31 =	sadd.s32 $0xFFFFFFF4, s26;
	v51 =	vor.u32 s28, v0;
	v2 =	vmax.f32 v4, v2  }
0x76: {  	s29 =	sadd.s32 $0xFFFFFFF5, s26;
	s25 =	sadd.s32 $0x10, s25;
	v52 =	vor.u32 s31, v0;
	v2 =	vmax.f32 v2, v3  }
0x77: {  	s30 =	sadd.s32 $0xFFFFFFF6, s26;
	v3 =	vor.u32 s29, v0;
	[tilespmem:s25+$0x0] =	vst v2  }
0x78: {  	s31 =	sadd.s32 $0xFFFFFFF7, s26;
	v2 =	vor.u32 s30, v0;
	v1 =	vld.idx.msk [tilespmem:v1+s17+$0x0], $0xffff  }
0x79: {  	v7 =	vor.u32 s31, v0;
	s29 =	sadd.s32 $0xFFFFFFF8, s26;
	v6 =	vld.idx.msk [tilespmem:v6+s17+$0x0], $0xffff  }
0x7a: {  	v8 =	vor.u32 s29, v0;
	s30 =	sadd.s32 $0xFFFFFFF9, s26;
	v5 =	vld.idx.msk [tilespmem:v51+s17+$0x0], $0xffff  }
0x7b: {  	s31 =	sadd.s32 $0xFFFFFFFA, s26;
	v9 =	vor.u32 s30, v0;
	v4 =	vld.idx.msk [tilespmem:v52+s17+$0x0], $0xffff  }
0x7c: {  	v10 =	vor.u32 s31, v0;
	s29 =	sadd.s32 $0xFFFFFFFB, s26;
	v3 =	vld.idx.msk [tilespmem:v3+s17+$0x0], $0xffff  }
0x7d: {  	v11 =	vor.u32 s29, v0;
	s30 =	sadd.s32 $0xFFFFFFFC, s26;
	v2 =	vld.idx.msk [tilespmem:v2+s17+$0x0], $0xffff  }
0x7e: {  	s31 =	sadd.s32 $0xFFFFFFFD, s26;
	v12 =	vor.u32 s30, v0;
	v7 =	vld.idx.msk [tilespmem:v7+s17+$0x0], $0xffff;
	v1 =	vmax.f32 v6, v1  }
0x7f: {  	v54 =	vor.u32 s31, v0;
	s29 =	sadd.s32 $0xFFFFFFFE, s26;
	v53 =	vld.idx.msk [tilespmem:v8+s17+$0x0], $0xffff;
	v1 =	vmax.f32 v1, v5  }
0x80: {  	v56 =	vor.u32 s29, v0;
	s30 =	sadd.s32 $0xFFFFFFFF, s26;
	v55 =	vld.idx.msk [tilespmem:v9+s17+$0x0], $0xffff;
	v1 =	vmax.f32 v1, v4  }
0x81: {  	v58 =	vor.u32 s30, v0;
	v57 =	vld.idx.msk [tilespmem:v10+s17+$0x0], $0xffff;
	v1 =	vmax.f32 v1, v3  }
0x82: {  	v59 =	vor.u32 s26, v0;
	v3 =	vld.idx.msk [tilespmem:v11+s17+$0x0], $0xffff;
	v1 =	vmax.f32 v1, v2  }
0x83: {  	v2 =	vld.idx.msk [tilespmem:v12+s17+$0x0], $0xffff;
	v1 =	vmax.f32 v1, v7  }
0x84: {  	v60 =	vld.idx.msk [tilespmem:v54+s17+$0x0], $0xffff;
	v1 =	vmax.f32 v1, v53  }
0x85: {  	v61 =	vld.idx.msk [tilespmem:v56+s17+$0x0], $0xffff;
	v1 =	vmax.f32 v1, v55  }
0x86: {  	v62 =	vld.idx.msk [tilespmem:v58+s17+$0x0], $0xffff;
	v1 =	vmax.f32 v1, v57  }
0x87: {  	v63 =	vld.idx.msk [tilespmem:v59+s17+$0x0], $0xffff;
	v1 =	vmax.f32 v1, v3  }
0x88: {  	v1 =	vmax.f32 v1, v2  }
0x89: {  	s24 =	sshll.u32 s24, $0x12;
	v1 =	vmax.f32 v1, v60  }
0x8a: {  	s24 =	sadd.s32 s9, s24;
	v1 =	vmax.f32 v1, v61  }
0x8b: {  	s23 =	sor.u32 s23, s24;
	v1 =	vmax.f32 v1, v62  }
0x8c: {  	s23 =	sshrl.u32 s23, $0x3;
	s31 =	sadd.s32 $0x10, s25;
	v1 =	vmax.f32 v1, v63  }
0x8d: {  	s23 =	sadd.s32 s3, s23;
	[tilespmem:s31+$0x0] =	vst v1  }
0x8e: {  	[hbm4b:s23+s13] =	stream.strided.scatter [tilespmem:s17], [sflag:$0x1], $0x8000, s14, s13, $0x38;
	[tilespmem:$0x11000] =	vst v63  }
0x8f: {  	s21 =	sadd.s32 $0x1, s21;
	_ =	swait.ge [sflag:s15], $0x8000  }
0x90: {  	p1 =	sne.s32 s21, $0x20;
	[sflag:s15] =	ssyncset.done $0x0  }
.Ltmp4:
0x91: {  	s22 =	sadd.s32 s2, s22;
	[sflag:s15] =	ssyncadd.s32 $0xFFFF8000;
	(pc) =	sbr.rel @p1 .LBB2_2-.Ltmp4, $4  }
0x92: {  	[hbm4b:s22+s13] =	stream.strided.scatter [tilespmem:s18], [sflag:$0x1], $0x800, s14, s13, $0x38;
	[tilespmem:$0x11000] =	vst v63  }
0x93: {  	_ =	swait.ge [sflag:s15], $0x800  }
0x94: {  	[sflag:s15] =	ssyncset.done $0x0  }
0x95: {  	[sflag:s15] =	ssyncadd.s32 $0xFFFFF800  }
.Ltmp5:
0x96: {  	(pc) =	sbr.rel @p0 .LBB2_11-.Ltmp5, $1  }
0x97: {  	_ =	sdelay $0x3  }
0x98: {  	s21 =	simm.s32 $0x8000  }
0x99: {  	[tilespmem:s21], [sflag:$0x1] =	stream.strided.gather [hbm4b:s10+s13], $0x800, s19, s13, $0x38;
	[tilespmem:$0x11000] =	vst v63  }
0x9a: {  	_ =	swait.ge [sflag:s15], $0x800  }
0x9b: {  	[sflag:s15] =	ssyncset.done $0x0  }
0x9c: {  	s22 =	simm.s32 $0x0;
	[sflag:s15] =	ssyncadd.s32 $0xFFFFF800  }
0x9d: {  	v1 =	vld [tilespmem:s22+$0x0];
	_ =	sdelay $0x5  }
0x9e: {  	v2 =	vld [tilespmem:s21+$0x0]  }
0x9f: {  	v3 =	vld [tilespmem:s22+$0x10]  }
0xa0: {  	v1 =	vld.idx.msk [tilespmem:v1+s16+$0x0], $0xffff;
	_ =	sdelay $0x2  }
0xa1: {  	v4 =	vbroadcast v2, $0x0;
	_ =	sdelay $0x1  }
0xa2: {  	v1 =	vsub.f32 v4, v1;
	_ =	sdelay $0x1  }
0xa3: {  	[tilespmem:s22+$0x8800] =	vst v1  }
0xa4: {  	v1 =	vld.idx.msk [tilespmem:v3+s16+$0x0], $0xffff  }
0xa5: {  	v3 =	vld [tilespmem:s22+$0x20];
	_ =	sdelay $0x2  }
0xa6: {  	v50 =	vbroadcast v2, $0x1;
	_ =	sdelay $0x1  }
0xa7: {  	v1 =	vsub.f32 v50, v1;
	_ =	sdelay $0x1  }
0xa8: {  	[tilespmem:s22+$0x8810] =	vst v1  }
0xa9: {  	v1 =	vld.idx.msk [tilespmem:v3+s16+$0x0], $0xffff  }
0xaa: {  	v3 =	vld [tilespmem:s22+$0x30];
	_ =	sdelay $0x2  }
0xab: {  	v51 =	vbroadcast v2, $0x2;
	_ =	sdelay $0x1  }
0xac: {  	v1 =	vsub.f32 v51, v1;
	_ =	sdelay $0x1  }
0xad: {  	[tilespmem:s22+$0x8820] =	vst v1  }
0xae: {  	v1 =	vld.idx.msk [tilespmem:v3+s16+$0x0], $0xffff  }
0xaf: {  	v3 =	vld [tilespmem:s22+$0x40];
	_ =	sdelay $0x2  }
0xb0: {  	v52 =	vbroadcast v2, $0x3;
	_ =	sdelay $0x1  }
0xb1: {  	v1 =	vsub.f32 v52, v1;
	_ =	sdelay $0x1  }
0xb2: {  	[tilespmem:s22+$0x8830] =	vst v1  }
0xb3: {  	v1 =	vld.idx.msk [tilespmem:v3+s16+$0x0], $0xffff  }
0xb4: {  	v3 =	vld [tilespmem:s22+$0x50];
	_ =	sdelay $0x2  }
0xb5: {  	v53 =	vbroadcast v2, $0x4;
	_ =	sdelay $0x1  }
0xb6: {  	v1 =	vsub.f32 v53, v1;
	_ =	sdelay $0x1  }
0xb7: {  	[tilespmem:s22+$0x8840] =	vst v1  }
0xb8: {  	v1 =	vld.idx.msk [tilespmem:v3+s16+$0x0], $0xffff  }
0xb9: {  	v3 =	vld [tilespmem:s22+$0x60];
	_ =	sdelay $0x2  }
0xba: {  	v54 =	vbroadcast v2, $0x5;
	_ =	sdelay $0x1  }
0xbb: {  	v1 =	vsub.f32 v54, v1;
	_ =	sdelay $0x1  }
0xbc: {  	[tilespmem:s22+$0x8850] =	vst v1  }
0xbd: {  	v1 =	vld.idx.msk [tilespmem:v3+s16+$0x0], $0xffff  }
0xbe: {  	v3 =	vld [tilespmem:s22+$0x70];
	_ =	sdelay $0x2  }
0xbf: {  	v55 =	vbroadcast v2, $0x6;
	_ =	sdelay $0x1  }
0xc0: {  	v1 =	vsub.f32 v55, v1;
	_ =	sdelay $0x1  }
0xc1: {  	[tilespmem:s22+$0x8860] =	vst v1  }
0xc2: {  	v1 =	vld.idx.msk [tilespmem:v3+s16+$0x0], $0xffff  }
0xc3: {  	v3 =	vld [tilespmem:s22+$0x80];
	_ =	sdelay $0x2  }
0xc4: {  	v56 =	vbroadcast v2, $0x7;
	_ =	sdelay $0x1  }
0xc5: {  	v1 =	vsub.f32 v56, v1;
	_ =	sdelay $0x1  }
0xc6: {  	[tilespmem:s22+$0x8870] =	vst v1  }
0xc7: {  	v1 =	vld.idx.msk [tilespmem:v3+s16+$0x0], $0xffff  }
0xc8: {  	v3 =	vld [tilespmem:s22+$0x90];
	_ =	sdelay $0x2  }
0xc9: {  	v57 =	vbroadcast v2, $0x8;
	_ =	sdelay $0x1  }
0xca: {  	v1 =	vsub.f32 v57, v1;
	_ =	sdelay $0x1  }
0xcb: {  	[tilespmem:s22+$0x8880] =	vst v1  }
0xcc: {  	v1 =	vld.idx.msk [tilespmem:v3+s16+$0x0], $0xffff  }
0xcd: {  	v3 =	vld [tilespmem:s22+$0xA0];
	_ =	sdelay $0x2  }
0xce: {  	v58 =	vbroadcast v2, $0x9;
	_ =	sdelay $0x1  }
0xcf: {  	v1 =	vsub.f32 v58, v1;
	_ =	sdelay $0x1  }
0xd0: {  	[tilespmem:s22+$0x8890] =	vst v1  }
0xd1: {  	v1 =	vld.idx.msk [tilespmem:v3+s16+$0x0], $0xffff  }
0xd2: {  	v3 =	vld [tilespmem:s22+$0xB0];
	_ =	sdelay $0x2  }
0xd3: {  	v59 =	vbroadcast v2, $0xA;
	_ =	sdelay $0x1  }
0xd4: {  	v1 =	vsub.f32 v59, v1;
	_ =	sdelay $0x1  }
0xd5: {  	[tilespmem:s22+$0x88A0] =	vst v1  }
0xd6: {  	v1 =	vld.idx.msk [tilespmem:v3+s16+$0x0], $0xffff  }
0xd7: {  	v3 =	vld [tilespmem:s22+$0xC0];
	_ =	sdelay $0x2  }
0xd8: {  	v60 =	vbroadcast v2, $0xB;
	_ =	sdelay $0x1  }
0xd9: {  	v1 =	vsub.f32 v60, v1;
	_ =	sdelay $0x1  }
0xda: {  	[tilespmem:s22+$0x88B0] =	vst v1  }
0xdb: {  	v1 =	vld.idx.msk [tilespmem:v3+s16+$0x0], $0xffff  }
0xdc: {  	v3 =	vld [tilespmem:s22+$0xD0];
	_ =	sdelay $0x2  }
0xdd: {  	v61 =	vbroadcast v2, $0xC;
	_ =	sdelay $0x1  }
0xde: {  	v1 =	vsub.f32 v61, v1;
	_ =	sdelay $0x1  }
0xdf: {  	[tilespmem:s22+$0x88C0] =	vst v1  }
0xe0: {  	v1 =	vld.idx.msk [tilespmem:v3+s16+$0x0], $0xffff  }
0xe1: {  	v3 =	vld [tilespmem:s22+$0xE0];
	_ =	sdelay $0x2  }
0xe2: {  	v62 =	vbroadcast v2, $0xD;
	_ =	sdelay $0x1  }
0xe3: {  	v1 =	vsub.f32 v62, v1;
	_ =	sdelay $0x1  }
0xe4: {  	[tilespmem:s22+$0x88D0] =	vst v1  }
0xe5: {  	v1 =	vld.idx.msk [tilespmem:v3+s16+$0x0], $0xffff  }
0xe6: {  	v3 =	vld [tilespmem:s22+$0xF0];
	_ =	sdelay $0x2  }
0xe7: {  	v63 =	vbroadcast v2, $0xE;
	_ =	sdelay $0x1  }
0xe8: {  	v1 =	vsub.f32 v63, v1;
	_ =	sdelay $0x1  }
0xe9: {  	[tilespmem:s22+$0x88E0] =	vst v1  }
0xea: {  	s25 =	simm.s32 $0x100;
	v1 =	vld.idx.msk [tilespmem:v3+s16+$0x0], $0xffff  }
0xeb: {  	v3 =	vbroadcast v2, $0xF;
	v2 =	vld [tilespmem:s25+$0x0];
	_ =	sdelay $0x3  }
0xec: {  	s23 =	simm.s32 $0x800;
	v1 =	vsub.f32 v3, v1  }
.LBB2_9:
0xed: {  	p1 =	sne.s32 s23, $0x1FC00;
	s21 =	sadd.s32 $0x10, s21  }
0xee: {  	s24 =	smov.u32 s23;
	s23 =	sadd.s32 $0x400, s23;
	[tilespmem:s22+$0x88F0] =	vst v1;
	s22 =	smov.u32 s25  }
0xef: {  	v1 =	vld [tilespmem:s21+$0x0]  }
0xf0: {  	v2 =	vld.idx.msk [tilespmem:v2+s16+$0x0], $0xffff  }
0xf1: {  	v3 =	vld [tilespmem:s22+$0x10];
	_ =	sdelay $0x2  }
0xf2: {  	v4 =	vbroadcast v1, $0x0;
	_ =	sdelay $0x1  }
0xf3: {  	v2 =	vsub.f32 v4, v2;
	_ =	sdelay $0x1  }
0xf4: {  	[tilespmem:s22+$0x8800] =	vst v2  }
0xf5: {  	v2 =	vld.idx.msk [tilespmem:v3+s16+$0x0], $0xffff  }
0xf6: {  	v3 =	vld [tilespmem:s22+$0x20];
	_ =	sdelay $0x2  }
0xf7: {  	v4 =	vbroadcast v1, $0x1;
	_ =	sdelay $0x1  }
0xf8: {  	v2 =	vsub.f32 v4, v2;
	_ =	sdelay $0x1  }
0xf9: {  	[tilespmem:s22+$0x8810] =	vst v2  }
0xfa: {  	v2 =	vld.idx.msk [tilespmem:v3+s16+$0x0], $0xffff  }
0xfb: {  	v3 =	vld [tilespmem:s22+$0x30];
	_ =	sdelay $0x2  }
0xfc: {  	v4 =	vbroadcast v1, $0x2;
	_ =	sdelay $0x1  }
0xfd: {  	v2 =	vsub.f32 v4, v2;
	_ =	sdelay $0x1  }
0xfe: {  	[tilespmem:s22+$0x8820] =	vst v2  }
0xff: {  	v2 =	vld.idx.msk [tilespmem:v3+s16+$0x0], $0xffff  }
0x100: {  	v3 =	vld [tilespmem:s22+$0x40];
	_ =	sdelay $0x2  }
0x101: {  	v4 =	vbroadcast v1, $0x3;
	_ =	sdelay $0x1  }
0x102: {  	v2 =	vsub.f32 v4, v2;
	_ =	sdelay $0x1  }
0x103: {  	[tilespmem:s22+$0x8830] =	vst v2  }
0x104: {  	v2 =	vld.idx.msk [tilespmem:v3+s16+$0x0], $0xffff  }
0x105: {  	v3 =	vld [tilespmem:s22+$0x50];
	_ =	sdelay $0x2  }
0x106: {  	v4 =	vbroadcast v1, $0x4;
	_ =	sdelay $0x1  }
0x107: {  	v2 =	vsub.f32 v4, v2;
	_ =	sdelay $0x1  }
0x108: {  	[tilespmem:s22+$0x8840] =	vst v2  }
0x109: {  	v2 =	vld.idx.msk [tilespmem:v3+s16+$0x0], $0xffff  }
0x10a: {  	v3 =	vld [tilespmem:s22+$0x60];
	_ =	sdelay $0x2  }
0x10b: {  	v4 =	vbroadcast v1, $0x5;
	_ =	sdelay $0x1  }
0x10c: {  	v2 =	vsub.f32 v4, v2;
	_ =	sdelay $0x1  }
0x10d: {  	[tilespmem:s22+$0x8850] =	vst v2  }
0x10e: {  	v2 =	vld.idx.msk [tilespmem:v3+s16+$0x0], $0xffff  }
0x10f: {  	v3 =	vld [tilespmem:s22+$0x70];
	_ =	sdelay $0x2  }
0x110: {  	v4 =	vbroadcast v1, $0x6;
	_ =	sdelay $0x1  }
0x111: {  	v2 =	vsub.f32 v4, v2;
	_ =	sdelay $0x1  }
0x112: {  	[tilespmem:s22+$0x8860] =	vst v2  }
0x113: {  	v2 =	vld.idx.msk [tilespmem:v3+s16+$0x0], $0xffff  }
0x114: {  	v3 =	vld [tilespmem:s22+$0x80];
	_ =	sdelay $0x2  }
0x115: {  	v4 =	vbroadcast v1, $0x7;
	_ =	sdelay $0x1  }
0x116: {  	v2 =	vsub.f32 v4, v2;
	_ =	sdelay $0x1  }
0x117: {  	[tilespmem:s22+$0x8870] =	vst v2  }
0x118: {  	v2 =	vld.idx.msk [tilespmem:v3+s16+$0x0], $0xffff  }
0x119: {  	v3 =	vld [tilespmem:s22+$0x90];
	_ =	sdelay $0x2  }
0x11a: {  	v4 =	vbroadcast v1, $0x8;
	_ =	sdelay $0x1  }
0x11b: {  	v2 =	vsub.f32 v4, v2;
	_ =	sdelay $0x1  }
0x11c: {  	[tilespmem:s22+$0x8880] =	vst v2  }
0x11d: {  	v2 =	vld.idx.msk [tilespmem:v3+s16+$0x0], $0xffff  }
0x11e: {  	v3 =	vld [tilespmem:s22+$0xA0];
	_ =	sdelay $0x2  }
0x11f: {  	v4 =	vbroadcast v1, $0x9;
	_ =	sdelay $0x1  }
0x120: {  	v2 =	vsub.f32 v4, v2;
	_ =	sdelay $0x1  }
0x121: {  	[tilespmem:s22+$0x8890] =	vst v2  }
0x122: {  	v2 =	vld.idx.msk [tilespmem:v3+s16+$0x0], $0xffff  }
0x123: {  	v3 =	vld [tilespmem:s22+$0xB0];
	_ =	sdelay $0x2  }
0x124: {  	v4 =	vbroadcast v1, $0xA;
	_ =	sdelay $0x1  }
0x125: {  	v2 =	vsub.f32 v4, v2;
	_ =	sdelay $0x1  }
0x126: {  	[tilespmem:s22+$0x88A0] =	vst v2  }
0x127: {  	v2 =	vld.idx.msk [tilespmem:v3+s16+$0x0], $0xffff  }
0x128: {  	v3 =	vld [tilespmem:s22+$0xC0];
	_ =	sdelay $0x2  }
0x129: {  	v4 =	vbroadcast v1, $0xB;
	_ =	sdelay $0x1  }
0x12a: {  	v2 =	vsub.f32 v4, v2;
	_ =	sdelay $0x1  }
0x12b: {  	[tilespmem:s22+$0x88B0] =	vst v2  }
0x12c: {  	v2 =	vld.idx.msk [tilespmem:v3+s16+$0x0], $0xffff  }
0x12d: {  	v3 =	vld [tilespmem:s22+$0xD0];
	_ =	sdelay $0x2  }
0x12e: {  	v4 =	vbroadcast v1, $0xC;
	_ =	sdelay $0x1  }
0x12f: {  	v2 =	vsub.f32 v4, v2;
	_ =	sdelay $0x1  }
0x130: {  	[tilespmem:s22+$0x88C0] =	vst v2  }
0x131: {  	v2 =	vld.idx.msk [tilespmem:v3+s16+$0x0], $0xffff  }
0x132: {  	v3 =	vld [tilespmem:s22+$0xE0];
	_ =	sdelay $0x2  }
0x133: {  	v4 =	vbroadcast v1, $0xD;
	_ =	sdelay $0x1  }
0x134: {  	v2 =	vsub.f32 v4, v2;
	_ =	sdelay $0x1  }
0x135: {  	[tilespmem:s22+$0x88D0] =	vst v2  }
0x136: {  	v2 =	vld.idx.msk [tilespmem:v3+s16+$0x0], $0xffff  }
0x137: {  	v3 =	vld [tilespmem:s22+$0xF0];
	_ =	sdelay $0x2  }
0x138: {  	v4 =	vbroadcast v1, $0xE;
	_ =	sdelay $0x1  }
0x139: {  	v2 =	vsub.f32 v4, v2;
	_ =	sdelay $0x1  }
0x13a: {  	[tilespmem:s22+$0x88E0] =	vst v2  }
0x13b: {  	v3 =	vld.idx.msk [tilespmem:v3+s16+$0x0], $0xffff  }
0x13c: {  	s25 =	sshra.s32 s24, $0x2  }
.Ltmp6:
0x13d: {  	v2 =	vld [tilespmem:s25+$0x0];
	(pc) =	sbr.rel @p1 .LBB2_9-.Ltmp6, $3  }
0x13e: {  	_ = 	snop  }
0x13f: {  	v1 =	vbroadcast v1, $0xF;
	_ =	sdelay $0x1  }
0x140: {  	v1 =	vsub.f32 v1, v3  }
0x141: {  	_ =	sdelay $0x1  }
0x142: {  	s21 =	sadd.s32 $0x10, s21;
	[tilespmem:s22+$0x88F0] =	vst v1  }
0x143: {  	v1 =	vld [tilespmem:s21+$0x0]  }
0x144: {  	v2 =	vld.idx.msk [tilespmem:v2+s16+$0x0], $0xffff  }
0x145: {  	v3 =	vld [tilespmem:s25+$0x10];
	_ =	sdelay $0x2  }
0x146: {  	v4 =	vbroadcast v1, $0x0;
	_ =	sdelay $0x1  }
0x147: {  	v2 =	vsub.f32 v4, v2;
	_ =	sdelay $0x1  }
0x148: {  	[tilespmem:s25+$0x8800] =	vst v2  }
0x149: {  	v2 =	vld.idx.msk [tilespmem:v3+s16+$0x0], $0xffff  }
0x14a: {  	v3 =	vld [tilespmem:s25+$0x20];
	_ =	sdelay $0x2  }
0x14b: {  	v50 =	vbroadcast v1, $0x1;
	_ =	sdelay $0x1  }
0x14c: {  	v2 =	vsub.f32 v50, v2;
	_ =	sdelay $0x1  }
0x14d: {  	[tilespmem:s25+$0x8810] =	vst v2  }
0x14e: {  	v2 =	vld.idx.msk [tilespmem:v3+s16+$0x0], $0xffff  }
0x14f: {  	v3 =	vld [tilespmem:s25+$0x30];
	_ =	sdelay $0x2  }
0x150: {  	v51 =	vbroadcast v1, $0x2;
	_ =	sdelay $0x1  }
0x151: {  	v2 =	vsub.f32 v51, v2;
	_ =	sdelay $0x1  }
0x152: {  	[tilespmem:s25+$0x8820] =	vst v2  }
0x153: {  	v2 =	vld.idx.msk [tilespmem:v3+s16+$0x0], $0xffff  }
0x154: {  	v3 =	vld [tilespmem:s25+$0x40];
	_ =	sdelay $0x2  }
0x155: {  	v52 =	vbroadcast v1, $0x3;
	_ =	sdelay $0x1  }
0x156: {  	v2 =	vsub.f32 v52, v2;
	_ =	sdelay $0x1  }
0x157: {  	[tilespmem:s25+$0x8830] =	vst v2  }
0x158: {  	v2 =	vld.idx.msk [tilespmem:v3+s16+$0x0], $0xffff  }
0x159: {  	v3 =	vld [tilespmem:s25+$0x50];
	_ =	sdelay $0x2  }
0x15a: {  	v53 =	vbroadcast v1, $0x4;
	_ =	sdelay $0x1  }
0x15b: {  	v2 =	vsub.f32 v53, v2;
	_ =	sdelay $0x1  }
0x15c: {  	[tilespmem:s25+$0x8840] =	vst v2  }
0x15d: {  	v2 =	vld.idx.msk [tilespmem:v3+s16+$0x0], $0xffff  }
0x15e: {  	v3 =	vld [tilespmem:s25+$0x60];
	_ =	sdelay $0x2  }
0x15f: {  	v54 =	vbroadcast v1, $0x5;
	_ =	sdelay $0x1  }
0x160: {  	v2 =	vsub.f32 v54, v2;
	_ =	sdelay $0x1  }
0x161: {  	[tilespmem:s25+$0x8850] =	vst v2  }
0x162: {  	v2 =	vld.idx.msk [tilespmem:v3+s16+$0x0], $0xffff  }
0x163: {  	v3 =	vld [tilespmem:s25+$0x70];
	_ =	sdelay $0x2  }
0x164: {  	v55 =	vbroadcast v1, $0x6;
	_ =	sdelay $0x1  }
0x165: {  	v2 =	vsub.f32 v55, v2;
	_ =	sdelay $0x1  }
0x166: {  	[tilespmem:s25+$0x8860] =	vst v2  }
0x167: {  	v2 =	vld.idx.msk [tilespmem:v3+s16+$0x0], $0xffff  }
0x168: {  	v3 =	vld [tilespmem:s25+$0x80];
	_ =	sdelay $0x2  }
0x169: {  	v56 =	vbroadcast v1, $0x7;
	_ =	sdelay $0x1  }
0x16a: {  	v2 =	vsub.f32 v56, v2;
	_ =	sdelay $0x1  }
0x16b: {  	[tilespmem:s25+$0x8870] =	vst v2  }
0x16c: {  	v2 =	vld.idx.msk [tilespmem:v3+s16+$0x0], $0xffff  }
0x16d: {  	v3 =	vld [tilespmem:s25+$0x90];
	_ =	sdelay $0x2  }
0x16e: {  	v57 =	vbroadcast v1, $0x8;
	_ =	sdelay $0x1  }
0x16f: {  	v2 =	vsub.f32 v57, v2;
	_ =	sdelay $0x1  }
0x170: {  	[tilespmem:s25+$0x8880] =	vst v2  }
0x171: {  	v2 =	vld.idx.msk [tilespmem:v3+s16+$0x0], $0xffff  }
0x172: {  	v3 =	vld [tilespmem:s25+$0xA0];
	_ =	sdelay $0x2  }
0x173: {  	v58 =	vbroadcast v1, $0x9;
	_ =	sdelay $0x1  }
0x174: {  	v2 =	vsub.f32 v58, v2;
	_ =	sdelay $0x1  }
0x175: {  	[tilespmem:s25+$0x8890] =	vst v2  }
0x176: {  	v2 =	vld.idx.msk [tilespmem:v3+s16+$0x0], $0xffff  }
0x177: {  	v3 =	vld [tilespmem:s25+$0xB0];
	_ =	sdelay $0x2  }
0x178: {  	v59 =	vbroadcast v1, $0xA;
	_ =	sdelay $0x1  }
0x179: {  	v2 =	vsub.f32 v59, v2;
	_ =	sdelay $0x1  }
0x17a: {  	[tilespmem:s25+$0x88A0] =	vst v2  }
0x17b: {  	v2 =	vld.idx.msk [tilespmem:v3+s16+$0x0], $0xffff  }
0x17c: {  	v3 =	vld [tilespmem:s25+$0xC0];
	_ =	sdelay $0x2  }
0x17d: {  	v60 =	vbroadcast v1, $0xB;
	_ =	sdelay $0x1  }
0x17e: {  	v2 =	vsub.f32 v60, v2;
	_ =	sdelay $0x1  }
0x17f: {  	[tilespmem:s25+$0x88B0] =	vst v2  }
0x180: {  	v2 =	vld.idx.msk [tilespmem:v3+s16+$0x0], $0xffff  }
0x181: {  	v3 =	vld [tilespmem:s25+$0xD0];
	_ =	sdelay $0x2  }
0x182: {  	v61 =	vbroadcast v1, $0xC;
	_ =	sdelay $0x1  }
0x183: {  	v2 =	vsub.f32 v61, v2;
	_ =	sdelay $0x1  }
0x184: {  	[tilespmem:s25+$0x88C0] =	vst v2  }
0x185: {  	v2 =	vld.idx.msk [tilespmem:v3+s16+$0x0], $0xffff  }
0x186: {  	v3 =	vld [tilespmem:s25+$0xE0];
	_ =	sdelay $0x2  }
0x187: {  	v62 =	vbroadcast v1, $0xD;
	_ =	sdelay $0x1  }
0x188: {  	v2 =	vsub.f32 v62, v2;
	_ =	sdelay $0x1  }
0x189: {  	[tilespmem:s25+$0x88D0] =	vst v2  }
0x18a: {  	v2 =	vld.idx.msk [tilespmem:v3+s16+$0x0], $0xffff  }
0x18b: {  	v3 =	vld [tilespmem:s25+$0xF0];
	_ =	sdelay $0x2  }
0x18c: {  	v63 =	vbroadcast v1, $0xE;
	_ =	sdelay $0x1  }
0x18d: {  	v2 =	vsub.f32 v63, v2;
	_ =	sdelay $0x1  }
0x18e: {  	[tilespmem:s25+$0x88E0] =	vst v2  }
0x18f: {  	v2 =	vld.idx.msk [tilespmem:v3+s16+$0x0], $0xffff;
	_ =	sdelay $0x2  }
0x190: {  	v1 =	vbroadcast v1, $0xF;
	_ =	sdelay $0x1  }
0x191: {  	v1 =	vsub.f32 v1, v2;
	_ =	sdelay $0x1  }
.Ltmp7:
0x192: {  	[tilespmem:s25+$0x88F0] =	vst v1;
	(pc) =	sbr.rel .LBB2_11-.Ltmp7, $4  }
0x193: {  	[hbm4b:s11+s13] =	stream.strided.scatter [tilespmem:s17], [sflag:$0x1], $0x8000, s19, s13, $0x38;
	[tilespmem:$0x11000] =	vst v63  }
0x194: {  	_ =	swait.ge [sflag:s15], $0x8000  }
0x195: {  	[sflag:s15] =	ssyncset.done $0x0  }
0x196: {  	[sflag:s15] =	ssyncadd.s32 $0xFFFF8000  }
.LBB2_12:
0x197: {  	_ =	sfence.sel $0x180000  }
0x198: {  	[bflag:$0x0] =	sbarrier.arrive $0xFFFF  }
0x199: {  	p0 =	sne.s32 s0, $0x0;
	_ =	strace $0x90000047  }
0x19a: {  	s0 =	sadd.s32 @!p0 $0x100000, s1;
	[bflag:$0x2] =	sbarrier.arrive $0xFFFF  }
0x19b: {  	[sflag:s0] =	ssyncadd.tile.s32 @!p0 $0x1;
	_ =	shalt  }
.Lfunc_end2:
_tile_overlayer_lowered:
.L_overlay_start_2:
0x19c: {  	(tag) =	ssettag $0x2  }
0x19d: {  	s0 =	rddreg [dreg:$0x0];
	s2 =	stileid.u32  }
0x19e: {  	s1 =	rddreg [dreg:$0x1];
	p0 =	sne.s32 s2, $0x0  }
0x19f: {  	s3 =	rddreg [dreg:$0x2];
	[bflag:$0x3] =	sbarrier.arrive $0xFFFF;
	s2 =	simm.s32 @!p0 $0x1C01  }
0x1a0: {  	[timem:s3], [sflag:s2] =	dma.local @!p0 [hbm:s0], s1  }
0x1a1: {  	s0 =	simm.s32 @!p0 $0x1  }
0x1a2: {  	_ =	swait.ge @!p0 [sflag:s0], s1  }
0x1a3: {  	s1 =	ssub.s32 @!p0 $0x0, s1;
	[sflag:s0] =	ssyncset.done @!p0 $0x0  }
0x1a4: {  	[sflag:s0] =	ssyncadd.s32 @!p0 s1  }
0x1a5: {  	[bflag:$0x3] =	sbarrier.arrive $0xFFFF  }
0x1a6: {  	_ =	shalt  }

// kernel: sparse-core-data-format-call.cloned.1.call-start
scs
called_computation_lowered:
.L_overlay_start_0:
0x0: {  	s2 =	sld [smem:$0x3FD9]  }
0x1: {  	s3 =	sld [smem:$0x3FFE];
	_ =	sdelay $0x1  }
0x2: {  	s1 =	srdreg.scid  }
0x3: {  	s0 =	sand.u32 $0x1, s1  }
0x4: {  	s15 =	sshll.u32 s0, $0xA;
	s2 =	sadd.s32 s3, s2  }
0x5: {  	s2 =	sadd.s32 s2, s15  }
0x6: {  	[smem:$0x3FC4] =	sst s2  }
0x7: {  	_ = 	snop  }
0x8: {  	s2 =	sld [smem:$0x3FD0];
	_ =	sdelay $0x2  }
0x9: {  	s16 =	simm.s32 $0xA;
	s4 =	simm.s32 $0x10  }
0xa: {  	[smem:s4], [sflag:s16] =	dma.local [hbm:s2], $0x1  }
0xb: {  	_ =	swait.eq [sflag:s16], $0x1  }
0xc: {  	[sflag:s16] =	ssyncset.done $0x0  }
0xd: {  	[sflag:s16] =	ssyncadd.s32 $0xFFFFFFFF  }
0xe: {  	s17 =	sld [smem:$0x11];
	(tm) =	ssettm $0x1  }
0xf: {  	s18 =	sld [smem:$0x3FFB];
	_ =	sdelay $0x3  }
0x10: {  	_ =	strace s18  }
0x11: {  	s3 =	sld [smem:$0x3FFC];
	_ =	sdelay $0x3  }
0x12: {  	_ =	strace s3  }
0x13: {  	s3 =	sld [smem:$0x3FFD];
	_ =	sdelay $0x3  }
0x14: {  	_ =	strace s3  }
0x15: {  	_ =	strace $0x8FFFFFFF  }
0x16: {  	s19 =	sld [smem:$0x3FDB];
	_ =	sdelay $0x1  }
0x17: {  	s20 =	simm.s32 $_scs_section_size  }
0x18: {  	s5 =	simm.s32 $_size__tile_overlayer_lowered;
	s6 =	simm.s32 $_tile_overlayer_lowered  }
0x19: {  	s23 =	simm.s32 $0x1BFF;
	s22 =	sshll.u32 s6, $0x1;
	s3 =	sadd.s32 s20, s19  }
0x1a: {  	s7 =	simm.s32 $0x0;
	s21 =	sshll.u32 s5, $0x1;
	s5 =	sadd.s32 s22, s3  }
0x1b: {  	[timem:s7], [sflag:s23] =	dma.local [hbm:s5], s21  }
0x1c: {  	_ =	swait.ge [sflag:s23], s21  }
0x1d: {  	s4 =	ssub.s32 $0x0, s21;
	[sflag:s23] =	ssyncset.done $0x0  }
0x1e: {  	[sflag:s23] =	ssyncadd.s32 s4;
	_ =	sdelay $0x1  }
0x1f: {  	s24 =	simm.s32 $0x1B8B  }
0x20: {  	_ =	swait.ge [sflag:s24], $0x1  }
0x21: {  	[sflag:s24] =	ssyncset.done $0x0  }
0x22: {  	s26 =	simm.s32 $0x1B8E;
	s25 =	sld [smem:$0x3FFE];
	[sflag:s24] =	ssyncadd.s32 $0xFFFFFFFF  }
0x23: {  	s27 =	simm.s32 $execute0_lowered;
	[smem:$0x3FD2] =	sst s26  }
0x24: {  	s5 =	sshll.u32 s27, $0x1;
	_ =	strace $0x80000049;
	[dreg:$0x1] =	wrdreg $0xFFFFFFFF  }
0x25: {  	s28 =	simm.s32 $_size_execute0_lowered;
	s3 =	sadd.s32 s3, s5;
	[dreg:$0x0] =	wrdreg $0x0  }
0x26: {  	s5 =	sshll.u32 s28, $0x1;
	[dreg:$0x2] =	wrdreg s3  }
0x27: {  	[dreg:$0x3] =	wrdreg s5  }
0x28: {  	[dreg:$0x4] =	wrdreg $0xC0  }
0x29: {  	_ =	task [dreg:s7], $0x5FFFF  }
0x2a: {  	[dreg:$0x1] =	wrdreg $0xFFFFFFFF  }
0x2b: {  	[dreg:$0x0] =	wrdreg $0x60  }
0x2c: {  	[dreg:$0x2] =	wrdreg s25  }
0x2d: {  	[dreg:$0x3] =	wrdreg s17  }
0x2e: {  	[dreg:$0x4] =	wrdreg $0x9  }
0x2f: {  	_ =	task.clear_ibuf [dreg:s7], $0x5FFFF;
	_ =	strace $0x90000049  }
0x30: {  	s29 =	simm.s32 $0x9;
	_ =	strace $0x8000004B  }
0x31: {  	_ =	swait.ge [sflag:s29], $0x1  }
0x32: {  	[sflag:s29] =	ssyncadd.s32 $0xFFFFFFFF  }
0x33: {  	_ =	strace $0x9000004B  }
0x34: {  	_ =	sfence  }
0x35: {  	s30 =	sld [smem:$0x0];
	_ =	sdelay $0x2  }
0x36: {  	s31 =	sshll.u32 s1, $0xD;
	s1 =	sshrl.u32 s1, $0x2  }
0x37: {  	s3 =	sand.u32 $0x4000, s31;
	s1 =	sadd.s32 s1, s30  }
0x38: {  	s0 =	sor.u32 s3, s0;
	s1 =	sshll.u32 s1, $0x11  }
0x39: {  	s0 =	sor.u32 s1, s0  }
0x3a: {  	s0 =	sadd.s32 $0x8F2B, s0  }
0x3b: {  	[sflag:s0] =	ssyncadd.remote.s32 $0x1  }
0x3c: {  	_ =	sfence.sel $0xFFFF  }
0x3d: {  	[dreg:$0x0] =	wrdreg $0xFFFFFFFF;
	(pc) =	sbr.abs _section_cstart, $3  }
0x3e: {  	[dreg:$0x1] =	wrdreg $0xFFFFFFFF  }
0x3f: {  	_ =	task.clear_ibuf [dreg:s7], $0x2FFFF;
	_ =	strace $0x9FFFFFFF  }
0x40: {  	(tm) =	ssettm $0x7FFFFFFF  }
0x41: {  	_ =	shalt  }
tec
execute0_lowered:
.L_overlay_start_1:
0x0: {  	(tag) =	ssettag $0x1  }
0x1: {  	s0 =	stileid.u32;
	s4 =	rddreg [dreg:$0x0]  }
0x2: {  	s1 =	srdreg.scid;
	s3 =	rddreg [dreg:$0x1];
	s7 =	simm.s32 $0x1  }
0x3: {  	s31 =	simm.s32 $0x2;
	s2 =	sshll.u32 s0, $0x4;
	s1 =	sshll.u32 s1, $0x8  }
0x4: {  	s16 =	simm.s32 $0x0;
	s9 =	simm.s32 $0x8000;
	s1 =	sor.u32 s2, s1  }
0x5: {  	s14 =	simm.s32 $0x0;
	s15 =	simm.s32 $0x0;
	s2 =	sand.u32 $0x180, s1  }
0x6: {  	s10 =	simm.s32 $0x0;
	s13 =	simm.s32 $0x0;
	s5 =	ssub.s32 $0x800, s2  }
0x7: {  	s4 =	sadd.s32 $0x63600, s4;
	s1 =	rddreg [dreg:$0x2];
	s6 =	sand.u32 $0x180, s5  }
.Ltmp0:
0x8: {  	_ =	strace $0x8000004A;
	p0 =	sne.s32 s6, $0x0;
	(pc) =	sbr.rel .LBB1_1-.Ltmp0, $4  }
0x9: {  	s11 =	smov.u32 s2;
	s8 =	sshrl.u32 s5, $0x9;
	s7 =	simm.s32 @!p0 $0x0  }
0xa: {  	s5 =	sand.u32 $0x7, s0;
	s6 =	simm.s32 $0x1;
	s7 =	sadd.s32 s7, s8  }
0xb: {  	s12 =	smov.u32 s5;
	[sflag:s6] =	ssyncpa.u1 $0x0;
	s7 =	sshll.u32 s7, $0x4  }
0xc: {  	p0 =	por $0x0, $0x0;
	[sflag:s31] =	ssyncpa.u1 $0x0;
	s8 =	sor.u32 $0x1, s7  }
.LBB1_4:
0xd: {  	v5 =	vld [tilespmem:s19+$0xFFFFFFD0];
	[tilespmem:s20+$0x2040 ss:$0x81] =	vst.msk $0xffff, v1  }
0xe: {  	v58 =	vld [tilespmem:s19+$0xFFFFFFE0];
	[tilespmem:s20+$0x2850 ss:$0x81] =	vst.msk $0xffff, v2  }
0xf: {  	s21 =	sshra.s32 s21, $0x2;
	v59 =	vld [tilespmem:s19+$0xFFFFFFF0];
	[tilespmem:s20+$0x3060 ss:$0x81] =	vst.msk $0xffff, v3  }
0x10: {  	v60 =	vld [tilespmem:s19+$0x0];
	[tilespmem:s20+$0x0 ss:$0x81] =	vst.msk $0xffff, v0;
	s18 =	sadd.s32 s21, s18  }
0x11: {  	v61 =	vld [tilespmem:s19+$0x10];
	s26 =	sshll.u32 s16, $0xB;
	[tilespmem:s18+$0x3870 ss:$0x81] =	vst.msk $0xffff, v4  }
0x12: {  	v62 =	vld [tilespmem:s19+$0x20];
	s27 =	sand.u32 $0x78, s14;
	s22 =	sshll.u32 s14, $0x3;
	s29 =	sshll.u32 s16, $0x7;
	[tilespmem:s18+$0x810 ss:$0x81] =	vst.msk $0xffff, v5  }
0x13: {  	v63 =	vld [tilespmem:s19+$0xFFFFFFC0];
	s15 =	sshll.u32 s15, $0x13;
	s20 =	sand.u32 $0x4000, s26;
	s28 =	sand.u32 $0x7C00, s22;
	[tilespmem:s18+$0x1020 ss:$0x81] =	vst.msk $0xffff, v58  }
0x14: {  	s31 =	sand.u32 $0x7, s14;
	s22 =	sand.u32 $0x400, s22;
	s19 =	sadd.s32 s28, s20;
	[tilespmem:s18+$0x1830 ss:$0x81] =	vst.msk $0xffff, v59  }
0x15: {  	s16 =	sand.u32 $0x380, s29;
	s30 =	sor.u32 s27, s22;
	s19 =	sshrl.u32 s19, $0x3;
	[tilespmem:s18+$0x2040 ss:$0x81] =	vst.msk $0xffff, v60  }
0x16: {  	s15 =	sadd.s32 s3, s15;
	s16 =	sor.u32 s16, s30;
	s19 =	sand.u32 $0xF00, s19;
	[tilespmem:s18+$0x2850 ss:$0x81] =	vst.msk $0xffff, v61  }
0x17: {  	s14 =	sshll.u32 s31, $0x12;
	s16 =	sshrl.u32 s16, $0x3;
	[tilespmem:s18+$0x3060 ss:$0x81] =	vst.msk $0xffff, v62;
	s15 =	sadd.s32 s19, s15  }
0x18: {  	s14 =	sor.u32 $0x80, s14;
	[tilespmem:s18+$0x0 ss:$0x81] =	vst.msk $0xffff, v63;
	s15 =	sadd.s32 s16, s15  }
0x19: {  	[hbm4b:s15+s14] =	stream.strided.scatter [tilespmem:s17], [sflag:$0x2], $0x4000, s9, s14, $0x20;
	[tilespmem:$0x10100] =	vst v63  }
.LBB1_5:
0x1a: {  	s17 =	sadd.s32 $0x1, s10  }
0x1b: {  	s14 =	sadd.s32 $0x200, s11;
	s18 =	smov.u32 s11;
	p2 =	sgt.s32 s17, $0xF  }
0x1c: {  	s18 =	smov.u32 @p2 s14  }
0x1d: {  	s20 =	smov.u32 s12;
	s14 =	sadd.s32 $0x8, s12;
	p3 =	sgt.s32 s18, $0x7FF  }
0x1e: {  	s20 =	smov.u32 @p3 s14  }
0x1f: {  	s17 =	simm.s32 @p2 $0x0;
	p2 =	sgt.s32 s20, $0x7  }
0x20: {  	p1 =	slt.u32 s13, $0x2;
	s20 =	smov.u32 @p2 s5;
	p2 =	sne.s32 s13, s8  }
.Ltmp1:
0x21: {  	s19 =	simm.s32 @!p1 $0x2;
	(pc) =	sbr.rel @!p2 .LBB1_6-.Ltmp1, $4  }
0x22: {  	s16 =	smov.u32 s10;
	s15 =	smov.u32 s12;
	_ =	swait.ge @!p1 [sflag:s19], $0x4000  }
0x23: {  	p0 =	por !p0, !p0;
	[sflag:s19] =	ssyncset.done @!p1 $0x0;
	s10 =	smov.u32 s17  }
0x24: {  	s18 =	smov.u32 @p3 s2;
	s14 =	smov.u32 s11;
	[sflag:s19] =	ssyncadd.s32 @!p1 $0xFFFFC000  }
0x25: {  	s11 =	smov.u32 s18;
	s13 =	sadd.s32 $0x1, s13;
	s12 =	smov.u32 s20  }
.LBB1_1:
0x26: {  	p1 =	sge.u32 s13, s7;
	s31 =	sadd.s32 $0xFFFFFFFF, s13  }
0x27: {  	s17 =	sxor.u32 @!p1 $0xFFFFFFFF, s13;
	s18 =	sshll.u32 @!p1 s12, $0x13;
	s19 =	sshll.u32 @!p1 s11, $0x8  }
0x28: {  	s20 =	sshll.u32 @!p1 s10, $0x4;
	s17 =	sshll.u32 @!p1 s17, $0xE;
	s18 =	sadd.s32 @!p1 s4, s18  }
0x29: {  	s20 =	sand.u32 @!p1 $0xF0, s20;
	s17 =	sand.u32 @!p1 $0x4000, s17;
	s18 =	sadd.s32 @!p1 s19, s18  }
0x2a: {  	s19 =	simm.s32 @!p1 $0x80;
	s18 =	sadd.s32 @!p1 s20, s18;
	s20 =	simm.s32 @!p1 $0x800  }
0x2b: {  	[tilespmem:s17], [sflag:$0x1] =	stream.strided.gather @!p1 [hbm4b:s18+s19], $0x4000, s20, s19, $0x38;
	[tilespmem:$0x10100] =	vst v63  }
0x2c: {  	p1 =	sge.u32 s31, s7  }
.Ltmp2:
0x2d: {  	_ = 	snop;
	(pc) =	sbr.rel @p1 .LBB1_5-.Ltmp2, $1  }
0x2e: {  	_ =	sdelay $0x3  }
0x2f: {  	s17 =	simm.s32 $0x1  }
0x30: {  	_ =	swait.ge [sflag:s6], $0x4000;
	s17 =	simm.s32 @!p0 $0x0  }
0x31: {  	[sflag:s6] =	ssyncset.done $0x0;
	s18 =	sshll.u32 s17, $0xE  }
0x32: {  	[sflag:s6] =	ssyncadd.s32 $0xFFFFC000;
	s19 =	sor.u32 $0x40, s18  }
0x33: {  	s17 =	smul.u32 $0x10200, s17;
	v0 =	vld [tilespmem:s19+$0x30]  }
0x34: {  	v3 =	vld [tilespmem:s19+$0xFFFFFFD0]  }
0x35: {  	s17 =	sshrl.u32 s17, $0x2;
	v4 =	vld [tilespmem:s19+$0xFFFFFFE0]  }
0x36: {  	v5 =	vld [tilespmem:s19+$0xFFFFFFF0];
	s18 =	sor.u32 $0x8000, s17  }
0x37: {  	s31 =	sand.u32 $0x1, s13;
	v1 =	vld [tilespmem:s19+$0x0];
	s20 =	sadd.s32 $0x0, s18  }
0x38: {  	v2 =	vld [tilespmem:s19+$0x10];
	s17 =	smul.u32 $0x10200, s31;
	[tilespmem:s20+$0x3870 ss:$0x81] =	vst.msk $0xffff, v0  }
0x39: {  	[tilespmem:s20+$0x810 ss:$0x81] =	vst.msk $0xffff, v3;
	v3 =	vld [tilespmem:s19+$0x20]  }
0x3a: {  	s17 =	sshrl.u32 s17, $0x2;
	v0 =	vld [tilespmem:s19+$0xFFFFFFC0];
	[tilespmem:s20+$0x1020 ss:$0x81] =	vst.msk $0xffff, v4;
	s19 =	sadd.s32 $0x80, s19  }
0x3b: {  	s21 =	simm.s32 $0x4;
	s22 =	simm.s32 $0x8;
	s17 =	sor.u32 $0x8000, s17;
	[tilespmem:s20+$0x1830 ss:$0x81] =	vst.msk $0xffff, v5;
	v4 =	vld [tilespmem:s19+$0x30]  }
.LBB1_3:
0x3c: {  	p1 =	sne.s32 s22, $0x1FC;
	v5 =	vld [tilespmem:s19+$0xFFFFFFD0];
	[tilespmem:s20+$0x2040 ss:$0x81] =	vst.msk $0xffff, v1  }
0x3d: {  	v6 =	vld [tilespmem:s19+$0xFFFFFFE0];
	[tilespmem:s20+$0x2850 ss:$0x81] =	vst.msk $0xffff, v2  }
0x3e: {  	s23 =	sshra.s32 s21, $0x2;
	s21 =	smov.u32 s22;
	v7 =	vld [tilespmem:s19+$0xFFFFFFF0];
	[tilespmem:s20+$0x3060 ss:$0x81] =	vst.msk $0xffff, v3  }
.Ltmp3:
0x3f: {  	v1 =	vld [tilespmem:s19+$0x0];
	[tilespmem:s20+$0x0 ss:$0x81] =	vst.msk $0xffff, v0;
	s20 =	sadd.s32 s23, s18;
	(pc) =	sbr.rel @p1 .LBB1_3-.Ltmp3, $4  }
0x40: {  	v2 =	vld [tilespmem:s19+$0x10];
	[tilespmem:s20+$0x3870 ss:$0x81] =	vst.msk $0xffff, v4  }
0x41: {  	[tilespmem:s20+$0x810 ss:$0x81] =	vst.msk $0xffff, v5;
	v3 =	vld [tilespmem:s19+$0x20]  }
0x42: {  	v0 =	vld [tilespmem:s19+$0xFFFFFFC0];
	[tilespmem:s20+$0x1020 ss:$0x81] =	vst.msk $0xffff, v6;
	s19 =	sadd.s32 $0x80, s19  }
0x43: {  	s22 =	sadd.s32 $0x4, s22;
	v4 =	vld [tilespmem:s19+$0x30];
	[tilespmem:s20+$0x1830 ss:$0x81] =	vst.msk $0xffff, v7  }
.Ltmp4:
0x44: {  	_ = 	snop;
	(pc) =	sbr.rel .LBB1_4-.Ltmp4, $1  }
0x45: {  	_ =	sdelay $0x3  }
.LBB1_6:
0x46: {  	_ =	sfence.sel $0x180000  }
0x47: {  	s2 =	simm.s32 $0x1;
	[bflag:$0x0] =	sbarrier.arrive $0xFFFF  }
0x48: {  	s31 =	simm.s32 $0x2;
	[sflag:s2] =	ssyncpa.u1 $0x1  }
0x49: {  	[sflag:s31] =	ssyncpa.u1 $0x1  }
0x4a: {  	p0 =	sne.s32 s0, $0x0;
	_ =	strace $0x9000004A  }
0x4b: {  	s0 =	sadd.s32 @!p0 $0x100000, s1;
	[bflag:$0x2] =	sbarrier.arrive $0xFFFF  }
0x4c: {  	[sflag:s0] =	ssyncadd.tile.s32 @!p0 $0x1;
	_ =	shalt  }
.Lfunc_end1:
_tile_overlayer_lowered:
.L_overlay_start_2:
0x4d: {  	(tag) =	ssettag $0x2  }
0x4e: {  	s0 =	rddreg [dreg:$0x0];
	s2 =	stileid.u32  }
0x4f: {  	s1 =	rddreg [dreg:$0x1];
	p0 =	sne.s32 s2, $0x0  }
0x50: {  	s3 =	rddreg [dreg:$0x2];
	[bflag:$0x3] =	sbarrier.arrive $0xFFFF;
	s2 =	simm.s32 @!p0 $0x1C01  }
0x51: {  	[timem:s3], [sflag:s2] =	dma.local @!p0 [hbm:s0], s1  }
0x52: {  	s0 =	simm.s32 @!p0 $0x1  }
0x53: {  	_ =	swait.ge @!p0 [sflag:s0], s1  }
0x54: {  	s1 =	ssub.s32 @!p0 $0x0, s1;
	[sflag:s0] =	ssyncset.done @!p0 $0x0  }
0x55: {  	[sflag:s0] =	ssyncadd.s32 @!p0 s1  }
0x56: {  	[bflag:$0x3] =	sbarrier.arrive $0xFFFF  }
0x57: {  	_ =	shalt  }

</sc_bundles>
